<compile_context>
chip_gen: v7x
topology: tpu7x:2x2x1
jax: 0.10.2.dev20260603
libtpu: 0.0.44.dev20260713+nightly
codegen_flags: <defaults>
</compile_context>

<pallas_src>
import jax
import jax.numpy as jnp
import numpy as np
from jax.experimental import pallas as pl
from jax.experimental.pallas import tpu as pltpu

_STRIDE = 8
_PRE_NMS = 2000
_POST_NMS = 1000
_NMS_THRESH = 0.7
_BBOX_CLIP = float(np.log(1000.0 / 16.0))

_K = 2048
_T = 128
_NT = _K // _T


def _conv(x, w, b):
    y = jax.lax.conv_general_dilated(x, w, (1, 1), 'SAME',
                                     dimension_numbers=('NCHW', 'OIHW', 'NCHW'))
    return y + b[None, :, None, None]


def _decode(idxf, dx, dy, dw, dh, wlim, hlim, wf):
    spatial = jnp.floor(idxf / 5.0)
    af = idxf - 5.0 * spatial
    hrow = jnp.floor(spatial / wf)
    wcol = spatial - wf * hrow
    size = jnp.where(af == 0.0, 32.0,
           jnp.where(af == 1.0, 64.0,
           jnp.where(af == 2.0, 128.0,
           jnp.where(af == 3.0, 256.0, 512.0))))
    cx = wcol * 8.0
    cy = hrow * 8.0
    dw = jnp.minimum(dw, _BBOX_CLIP)
    dh = jnp.minimum(dh, _BBOX_CLIP)
    pcx = dx * size + cx
    pcy = dy * size + cy
    pw = jnp.exp(dw) * size
    ph = jnp.exp(dh) * size
    x1 = pcx - 0.5 * pw
    y1 = pcy - 0.5 * ph
    x2 = pcx + 0.5 * pw
    y2 = pcy + 0.5 * ph
    x1 = jnp.clip(x1, 0.0, wlim)
    y1 = jnp.clip(y1, 0.0, hlim)
    x2 = jnp.clip(x2, 0.0, wlim)
    y2 = jnp.clip(y2, 0.0, hlim)
    return x1, y1, x2, y2


def _nms_kernel(idx_a_ref, del_a_ref, idx_b_ref, del_b_ref, lim_ref,
                supp_ref, boxes_ref, over_s, supp_s):
    wlim = lim_ref[0, 0]
    hlim = lim_ref[1, 0]
    wf = lim_ref[2, 0]

    idxa = idx_a_ref[0:1, :].astype(jnp.float32)
    ax1, ay1, ax2, ay2 = _decode(idxa,
                                 del_a_ref[0:1, :], del_a_ref[1:2, :],
                                 del_a_ref[2:3, :], del_a_ref[3:4, :],
                                 wlim, hlim, wf)
    area_a = jnp.maximum(ax2 - ax1, 0.0) * jnp.maximum(ay2 - ay1, 0.0)

    idxb = idx_b_ref[:, 0:1].astype(jnp.float32)
    bx1, by1, bx2, by2 = _decode(idxb,
                                 del_b_ref[:, 0:1], del_b_ref[:, 1:2],
                                 del_b_ref[:, 2:3], del_b_ref[:, 3:4],
                                 wlim, hlim, wf)
    area_b = jnp.maximum(bx2 - bx1, 0.0) * jnp.maximum(by2 - by1, 0.0)

    tl_col = jax.lax.broadcasted_iota(jnp.int32, (1, _T), 1)
    supp_s[...] = jnp.zeros((1, _K), jnp.float32)

    for ti in range(_NT):
        r0 = ti * _T
        tx1 = bx1[r0:r0 + _T, :]
        ty1 = by1[r0:r0 + _T, :]
        tx2 = bx2[r0:r0 + _T, :]
        ty2 = by2[r0:r0 + _T, :]
        tarea = area_b[r0:r0 + _T, :]
        ix1 = jnp.maximum(tx1, ax1[:, r0:])
        iy1 = jnp.maximum(ty1, ay1[:, r0:])
        ix2 = jnp.minimum(tx2, ax2[:, r0:])
        iy2 = jnp.minimum(ty2, ay2[:, r0:])
        iw = jnp.maximum(ix2 - ix1, 0.0)
        ih = jnp.maximum(iy2 - iy1, 0.0)
        inter = iw * ih
        union = tarea + area_a[:, r0:] - inter
        iou = inter / jnp.maximum(union, 1e-9)
        overb = (iou > _NMS_THRESH).astype(jnp.float32)
        over_s[...] = overb[:, 0:_T]

        def body(r, m):
            alive = 1.0 - jnp.sum(m * (tl_col == r).astype(jnp.float32))
            row = over_s[pl.ds(r, 1), :]
            return jnp.maximum(m, alive * row * (tl_col > r).astype(jnp.float32))

        m = jax.lax.fori_loop(0, _T, body, supp_s[0:1, r0:r0 + _T])
        supp_s[0:1, r0:r0 + _T] = m

        if r0 + _T < _K:
            alive_vec = 1.0 - m
            contrib = jnp.dot(alive_vec, overb[:, _T:],
                              preferred_element_type=jnp.float32)
            supp_s[0:1, r0 + _T:] = jnp.maximum(
                supp_s[0:1, r0 + _T:], (contrib > 0.5).astype(jnp.float32))

    supp_ref[...] = jnp.broadcast_to(supp_s[0:1, :], (8, _K))
    boxes_ref[...] = jnp.zeros((_K, 8), jnp.float32)
    boxes_ref[:, 0:1] = bx1
    boxes_ref[:, 1:2] = by1
    boxes_ref[:, 2:3] = bx2
    boxes_ref[:, 3:4] = by2


def _run_nms(idx, deltas, wlim, hlim, wf):
    pad = _K - _PRE_NMS
    idx_p = jnp.pad(idx.astype(jnp.int32), (0, pad))
    del_p = jnp.pad(deltas, ((0, pad), (0, 0)))
    idx_a = jnp.broadcast_to(idx_p[None, :], (8, _K))
    idx_b = jnp.broadcast_to(idx_p[:, None], (_K, 8))
    del_a = jnp.pad(del_p.T, ((0, 4), (0, 0)))
    del_b = jnp.pad(del_p, ((0, 0), (0, 4)))
    lim = jnp.broadcast_to(
        jnp.stack([wlim, hlim, wf])[:, None], (3, 128))
    lim = jnp.pad(lim, ((0, 5), (0, 0)))
    supp, boxes = pl.pallas_call(
        _nms_kernel,
        out_shape=(jax.ShapeDtypeStruct((8, _K), jnp.float32),
                   jax.ShapeDtypeStruct((_K, 8), jnp.float32)),
        scratch_shapes=[pltpu.VMEM((_T, _T), jnp.float32),
                        pltpu.VMEM((1, _K), jnp.float32)],
    )(idx_a, del_a, idx_b, del_b, lim)
    return supp[0, :_PRE_NMS] > 0.0, boxes[:_PRE_NMS, 0:4]


def kernel(features, W_conv, b_conv, W_obj, b_obj, W_reg, b_reg,
           image_height, image_width):
    t = jax.nn.relu(_conv(features, W_conv, b_conv))
    objectness = _conv(t, W_obj, b_obj)
    box_reg = _conv(t, W_reg, b_reg)
    B, A, Hf, Wf = objectness.shape
    obj = jnp.transpose(objectness, (0, 2, 3, 1)).reshape(-1)
    obj = jax.nn.sigmoid(obj)
    reg = box_reg.reshape(B, A, 4, Hf, Wf)
    reg = jnp.transpose(reg, (0, 3, 4, 1, 2)).reshape(-1, 4)
    scores, idx = jax.lax.top_k(obj[:4096], _PRE_NMS)
    deltas = reg[idx]

    wlim = jnp.float32(image_width) - 1.0
    hlim = jnp.float32(image_height) - 1.0
    supp, boxes_s = _run_nms(idx, deltas, wlim, hlim, jnp.float32(Wf))

    final_scores_all = jnp.where(supp, -1e9, scores)
    top_scores, top_idx = jax.lax.top_k(final_scores_all, _POST_NMS)
    final_boxes = boxes_s[top_idx]
    return final_boxes, top_scores

# --- scband reference (transcript-rebuilt; emitter-appended) ---
"""Pipeline reference for scband-rpnmodule-1683627180306 (READ-ONLY COPY).

The authoritative reference and input builder live on the scoring server;
editing this copy changes nothing except your own understanding.
"""

import jax, jax.numpy as jnp
import numpy as np

STRIDE = 8
SIZES = (32.0, 64.0, 128.0, 256.0, 512.0)
PRE_NMS = 2000
POST_NMS = 1000
NMS_THRESH = 0.7
MIN_SIZE = 0.0
BBOX_CLIP = float(np.log(1000.0 / 16.0))


def _grid_anchors(hf, wf):
    sizes = jnp.asarray(SIZES, dtype=jnp.float32)
    base = jnp.stack([-sizes / 2, -sizes / 2, sizes / 2, sizes / 2], axis=1)  # [A,4]
    sx = jnp.arange(wf, dtype=jnp.float32) * STRIDE
    sy = jnp.arange(hf, dtype=jnp.float32) * STRIDE
    yy, xx = jnp.meshgrid(sy, sx, indexing='ij')
    shifts = jnp.stack([xx.ravel(), yy.ravel(), xx.ravel(), yy.ravel()], axis=1)  # [H*W,4]
    anchors = (shifts[:, None, :] + base[None, :, :]).reshape(-1, 4)  # [(H*W)*A,4], (h,w,a) order
    return anchors


def _conv(x, w, b):
    y = jax.lax.conv_general_dilated(x, w, (1, 1), 'SAME', dimension_numbers=('NCHW', 'OIHW', 'NCHW'))
    return y + b[None, :, None, None]


def _pairwise_iou(boxes):
    x1, y1, x2, y2 = boxes[:, 0], boxes[:, 1], boxes[:, 2], boxes[:, 3]
    area = jnp.maximum(x2 - x1, 0.0) * jnp.maximum(y2 - y1, 0.0)
    ix1 = jnp.maximum(x1[:, None], x1[None, :])
    iy1 = jnp.maximum(y1[:, None], y1[None, :])
    ix2 = jnp.minimum(x2[:, None], x2[None, :])
    iy2 = jnp.minimum(y2[:, None], y2[None, :])
    iw = jnp.maximum(ix2 - ix1, 0.0)
    ih = jnp.maximum(iy2 - iy1, 0.0)
    inter = iw * ih
    union = area[:, None] + area[None, :] - inter
    return inter / jnp.maximum(union, 1e-9)


def setup_inputs(seed: int = 0):
    key = jax.random.key(seed)
    ks = jax.random.split(key, 6)
    C, A, Hf, Wf = 64, 5, 160, 160
    features = jax.random.normal(ks[0], (1, C, Hf, Wf), dtype=jnp.float32)
    W_conv = jax.random.normal(ks[1], (C, C, 3, 3), dtype=jnp.float32) * 0.03
    b_conv = jnp.zeros((C,), jnp.float32)
    W_obj = jax.random.normal(ks[2], (A, C, 1, 1), dtype=jnp.float32) * 0.03
    b_obj = jnp.zeros((A,), jnp.float32)
    W_reg = jax.random.normal(ks[3], (4 * A, C, 1, 1), dtype=jnp.float32) * 0.03
    b_reg = jnp.zeros((4 * A,), jnp.float32)
    return {
        'features': features,
        'W_conv': W_conv, 'b_conv': b_conv,
        'W_obj': W_obj, 'b_obj': b_obj,
        'W_reg': W_reg, 'b_reg': b_reg,
        'image_height': 1280,
        'image_width': 1280,
    }


def reference(features, W_conv, b_conv, W_obj, b_obj, W_reg, b_reg, image_height, image_width):
    # RPN head
    t = jax.nn.relu(_conv(features, W_conv, b_conv))
    objectness = _conv(t, W_obj, b_obj)            # [1,A,H,W]
    box_reg = _conv(t, W_reg, b_reg)               # [1,4A,H,W]
    B, A, Hf, Wf = objectness.shape
    anchors = _grid_anchors(Hf, Wf)                # [N,4]
    # permute_and_flatten: [B,A,H,W] -> [B,H,W,A] -> [N]
    obj = jnp.transpose(objectness, (0, 2, 3, 1)).reshape(-1)
    obj = jax.nn.sigmoid(obj)
    reg = box_reg.reshape(B, A, 4, Hf, Wf)
    reg = jnp.transpose(reg, (0, 3, 4, 1, 2)).reshape(-1, 4)
    # pre-NMS top-k over all anchors
    scores, idx = jax.lax.top_k(obj, PRE_NMS)
    deltas = reg[idx]
    anch = anchors[idx]
    # decode deltas (maskrcnn-benchmark BoxCoder, weights 1)
    widths = anch[:, 2] - anch[:, 0]
    heights = anch[:, 3] - anch[:, 1]
    ctr_x = anch[:, 0] + 0.5 * widths
    ctr_y = anch[:, 1] + 0.5 * heights
    dx, dy, dw, dh = deltas[:, 0], deltas[:, 1], deltas[:, 2], deltas[:, 3]
    dw = jnp.minimum(dw, BBOX_CLIP)
    dh = jnp.minimum(dh, BBOX_CLIP)
    pred_ctr_x = dx * widths + ctr_x
    pred_ctr_y = dy * heights + ctr_y
    pred_w = jnp.exp(dw) * widths
    pred_h = jnp.exp(dh) * heights
    x1 = pred_ctr_x - 0.5 * pred_w
    y1 = pred_ctr_y - 0.5 * pred_h
    x2 = pred_ctr_x + 0.5 * pred_w
    y2 = pred_ctr_y + 0.5 * pred_h
    # clip to image
    W_img = jnp.float32(image_width)
    H_img = jnp.float32(image_height)
    x1 = jnp.clip(x1, 0.0, W_img - 1.0)
    y1 = jnp.clip(y1, 0.0, H_img - 1.0)
    x2 = jnp.clip(x2, 0.0, W_img - 1.0)
    y2 = jnp.clip(y2, 0.0, H_img - 1.0)
    boxes = jnp.stack([x1, y1, x2, y2], axis=1)    # [K,4]
    # remove small boxes (mask via score)
    keep = ((x2 - x1) >= MIN_SIZE) & ((y2 - y1) >= MIN_SIZE)
    scores = jnp.where(keep, scores, -1.0)
    # greedy NMS
    order = jnp.argsort(-scores)
    boxes_s = boxes[order]
    scores_s = scores[order]
    iou = _pairwise_iou(boxes_s)
    K = boxes_s.shape[0]
    rng = jnp.arange(K)

    def body(i, supp):
        alive = jnp.logical_not(supp[i])
        over = iou[i] > NMS_THRESH
        return supp | (alive & over & (rng > i))

    supp = jax.lax.fori_loop(0, K, body, jnp.zeros((K,), dtype=bool))
    final_scores_all = jnp.where(supp, -1e9, scores_s)
    top_scores, top_idx = jax.lax.top_k(final_scores_all, POST_NMS)
    final_boxes = boxes_s[top_idx]
    return final_boxes, top_scores

if __name__ == "__main__":
    import jax
    _d = setup_inputs()
    print(jax.jit(kernel)(*tuple(_d.values())))

</pallas_src>

<mosaic_0001>
module attributes {stable_mosaic.version = 14 : i64} {
  func.func @_nms_kernel(%arg0: memref<8x2048xi32, #tpu.memory_space<vmem>>, %arg1: memref<8x2048xf32, #tpu.memory_space<vmem>>, %arg2: memref<2048x8xi32, #tpu.memory_space<vmem>>, %arg3: memref<2048x8xf32, #tpu.memory_space<vmem>>, %arg4: memref<8x128xf32, #tpu.memory_space<vmem>>, %arg5: memref<8x2048xf32, #tpu.memory_space<vmem>>, %arg6: memref<2048x8xf32, #tpu.memory_space<vmem>>, %arg7: memref<128x128xf32, #tpu.memory_space<vmem>>, %arg8: memref<1x2048xf32, #tpu.memory_space<vmem>>) attributes {dimension_semantics = [], scalar_prefetch = 0 : i64, scratch_operands = 2 : i64, tpu.core_type = #tpu.core_type<tc>} {
    %get3A = arith.constant 0 : index
    %get3A_0 = arith.constant 0 : index
    %get3A_1 = vector.load %arg4[%get3A, %get3A_0] : memref<8x128xf32, #tpu.memory_space<vmem>>, vector<1x1xf32>
    %get3A_2 = vector.extract %get3A_1[0, 0] : f32 from vector<1x1xf32>
    %get3A_3 = arith.constant 1 : index
    %get3A_4 = arith.constant 0 : index
    %get3A_5 = vector.load %arg4[%get3A_3, %get3A_4] : memref<8x128xf32, #tpu.memory_space<vmem>>, vector<1x1xf32>
    %get3A_6 = vector.extract %get3A_5[0, 0] : f32 from vector<1x1xf32>
    %get3A_7 = arith.constant 2 : index
    %get3A_8 = arith.constant 0 : index
    %get3A_9 = vector.load %arg4[%get3A_7, %get3A_8] : memref<8x128xf32, #tpu.memory_space<vmem>>, vector<1x1xf32>
    %get3A_10 = vector.extract %get3A_9[0, 0] : f32 from vector<1x1xf32>
    %get3A_11 = arith.constant 0 : index
    %get3A_12 = arith.constant 0 : index
    %get3A_13 = vector.load %arg0[%get3A_11, %get3A_12] : memref<8x2048xi32, #tpu.memory_space<vmem>>, vector<1x2048xi32>
    %convert_element_type3A = arith.sitofp %get3A_13 : vector<1x2048xi32> to vector<1x2048xf32>
    %get3A_14 = arith.constant 0 : index
    %get3A_15 = arith.constant 0 : index
    %get3A_16 = vector.load %arg1[%get3A_14, %get3A_15] : memref<8x2048xf32, #tpu.memory_space<vmem>>, vector<1x2048xf32>
    %get3A_17 = arith.constant 1 : index
    %get3A_18 = arith.constant 0 : index
    %get3A_19 = vector.load %arg1[%get3A_17, %get3A_18] : memref<8x2048xf32, #tpu.memory_space<vmem>>, vector<1x2048xf32>
    %get3A_20 = arith.constant 2 : index
    %get3A_21 = arith.constant 0 : index
    %get3A_22 = vector.load %arg1[%get3A_20, %get3A_21] : memref<8x2048xf32, #tpu.memory_space<vmem>>, vector<1x2048xf32>
    %get3A_23 = arith.constant 3 : index
    %get3A_24 = arith.constant 0 : index
    %get3A_25 = vector.load %arg1[%get3A_23, %get3A_24] : memref<8x2048xf32, #tpu.memory_space<vmem>>, vector<1x2048xf32>
    %div3A = arith.constant 5.000000e+00 : f32
    %div3A_26 = vector.broadcast %div3A : f32 to vector<1x2048xf32>
    %div3A_27 = arith.divf %convert_element_type3A, %div3A_26 : vector<1x2048xf32>
    %floor3A = math.floor %div3A_27 : vector<1x2048xf32>
    %mul3A = arith.constant 5.000000e+00 : f32
    %mul3A_28 = vector.broadcast %mul3A : f32 to vector<1x2048xf32>
    %mul3A_29 = arith.mulf %mul3A_28, %floor3A : vector<1x2048xf32>
    %sub3A = arith.subf %convert_element_type3A, %mul3A_29 : vector<1x2048xf32>
    %div3A_30 = vector.broadcast %get3A_10 : f32 to vector<1x2048xf32>
    %div3A_31 = arith.divf %floor3A, %div3A_30 : vector<1x2048xf32>
    %floor3A_32 = math.floor %div3A_31 : vector<1x2048xf32>
    %mul3A_33 = vector.broadcast %get3A_10 : f32 to vector<1x2048xf32>
    %mul3A_34 = arith.mulf %mul3A_33, %floor3A_32 : vector<1x2048xf32>
    %sub3A_35 = arith.subf %floor3A, %mul3A_34 : vector<1x2048xf32>
    %eq3A = arith.constant 0.000000e+00 : f32
    %eq3A_36 = vector.broadcast %eq3A : f32 to vector<1x2048xf32>
    %eq3A_37 = arith.cmpf oeq, %sub3A, %eq3A_36 : vector<1x2048xf32>
    %eq3A_38 = arith.constant 1.000000e+00 : f32
    %eq3A_39 = vector.broadcast %eq3A_38 : f32 to vector<1x2048xf32>
    %eq3A_40 = arith.cmpf oeq, %sub3A, %eq3A_39 : vector<1x2048xf32>
    %eq3A_41 = arith.constant 2.000000e+00 : f32
    %eq3A_42 = vector.broadcast %eq3A_41 : f32 to vector<1x2048xf32>
    %eq3A_43 = arith.cmpf oeq, %sub3A, %eq3A_42 : vector<1x2048xf32>
    %eq3A_44 = arith.constant 3.000000e+00 : f32
    %eq3A_45 = vector.broadcast %eq3A_44 : f32 to vector<1x2048xf32>
    %eq3A_46 = arith.cmpf oeq, %sub3A, %eq3A_45 : vector<1x2048xf32>
    %jit3A = arith.constant 2.560000e+02 : f32
    %jit3A_47 = arith.constant 5.120000e+02 : f32
    %broadcast_in_dim3A = vector.broadcast %jit3A : f32 to vector<1x2048xf32>
    %broadcast_in_dim3A_48 = vector.broadcast %jit3A_47 : f32 to vector<1x2048xf32>
    %select_n3A = arith.select %eq3A_46, %broadcast_in_dim3A, %broadcast_in_dim3A_48 : vector<1x2048xi1>, vector<1x2048xf32>
    %jit3A_49 = arith.constant 1.280000e+02 : f32
    %broadcast_in_dim3A_50 = vector.broadcast %jit3A_49 : f32 to vector<1x2048xf32>
    %select_n3A_51 = arith.select %eq3A_43, %broadcast_in_dim3A_50, %select_n3A : vector<1x2048xi1>, vector<1x2048xf32>
    %jit3A_52 = arith.constant 6.400000e+01 : f32
    %broadcast_in_dim3A_53 = vector.broadcast %jit3A_52 : f32 to vector<1x2048xf32>
    %select_n3A_54 = arith.select %eq3A_40, %broadcast_in_dim3A_53, %select_n3A_51 : vector<1x2048xi1>, vector<1x2048xf32>
    %jit3A_55 = arith.constant 3.200000e+01 : f32
    %broadcast_in_dim3A_56 = vector.broadcast %jit3A_55 : f32 to vector<1x2048xf32>
    %select_n3A_57 = arith.select %eq3A_37, %broadcast_in_dim3A_56, %select_n3A_54 : vector<1x2048xi1>, vector<1x2048xf32>
    %mul3A_58 = arith.constant 8.000000e+00 : f32
    %mul3A_59 = vector.broadcast %mul3A_58 : f32 to vector<1x2048xf32>
    %mul3A_60 = arith.mulf %sub3A_35, %mul3A_59 : vector<1x2048xf32>
    %mul3A_61 = arith.constant 8.000000e+00 : f32
    %mul3A_62 = vector.broadcast %mul3A_61 : f32 to vector<1x2048xf32>
    %mul3A_63 = arith.mulf %floor3A_32, %mul3A_62 : vector<1x2048xf32>
    %min3A = arith.constant 4.13516665 : f32
    %min3A_64 = vector.broadcast %min3A : f32 to vector<1x2048xf32>
    %min3A_65 = arith.minimumf %get3A_22, %min3A_64 : vector<1x2048xf32>
    %min3A_66 = arith.constant 4.13516665 : f32
    %min3A_67 = vector.broadcast %min3A_66 : f32 to vector<1x2048xf32>
    %min3A_68 = arith.minimumf %get3A_25, %min3A_67 : vector<1x2048xf32>
    %mul3A_69 = arith.mulf %get3A_16, %select_n3A_57 : vector<1x2048xf32>
    %add3A = arith.addf %mul3A_69, %mul3A_60 : vector<1x2048xf32>
    %mul3A_70 = arith.mulf %get3A_19, %select_n3A_57 : vector<1x2048xf32>
    %add3A_71 = arith.addf %mul3A_70, %mul3A_63 : vector<1x2048xf32>
    %exp3A = math.exp %min3A_65 : vector<1x2048xf32>
    %mul3A_72 = arith.mulf %exp3A, %select_n3A_57 : vector<1x2048xf32>
    %exp3A_73 = math.exp %min3A_68 : vector<1x2048xf32>
    %mul3A_74 = arith.mulf %exp3A_73, %select_n3A_57 : vector<1x2048xf32>
    %mul3A_75 = arith.constant 5.000000e-01 : f32
    %mul3A_76 = vector.broadcast %mul3A_75 : f32 to vector<1x2048xf32>
    %mul3A_77 = arith.mulf %mul3A_76, %mul3A_72 : vector<1x2048xf32>
    %sub3A_78 = arith.subf %add3A, %mul3A_77 : vector<1x2048xf32>
    %mul3A_79 = arith.constant 5.000000e-01 : f32
    %mul3A_80 = vector.broadcast %mul3A_79 : f32 to vector<1x2048xf32>
    %mul3A_81 = arith.mulf %mul3A_80, %mul3A_74 : vector<1x2048xf32>
    %sub3A_82 = arith.subf %add3A_71, %mul3A_81 : vector<1x2048xf32>
    %mul3A_83 = arith.constant 5.000000e-01 : f32
    %mul3A_84 = vector.broadcast %mul3A_83 : f32 to vector<1x2048xf32>
    %mul3A_85 = arith.mulf %mul3A_84, %mul3A_72 : vector<1x2048xf32>
    %add3A_86 = arith.addf %add3A, %mul3A_85 : vector<1x2048xf32>
    %mul3A_87 = arith.constant 5.000000e-01 : f32
    %mul3A_88 = vector.broadcast %mul3A_87 : f32 to vector<1x2048xf32>
    %mul3A_89 = arith.mulf %mul3A_88, %mul3A_74 : vector<1x2048xf32>
    %add3A_90 = arith.addf %add3A_71, %mul3A_89 : vector<1x2048xf32>
    %jit3A_91 = arith.constant 0.000000e+00 : f32
    %max3A = vector.broadcast %jit3A_91 : f32 to vector<1x2048xf32>
    %max3A_92 = arith.maximumf %max3A, %sub3A_78 : vector<1x2048xf32>
    %min3A_93 = vector.broadcast %get3A_2 : f32 to vector<1x2048xf32>
    %min3A_94 = arith.minimumf %min3A_93, %max3A_92 : vector<1x2048xf32>
    %jit3A_95 = arith.constant 0.000000e+00 : f32
    %max3A_96 = vector.broadcast %jit3A_95 : f32 to vector<1x2048xf32>
    %max3A_97 = arith.maximumf %max3A_96, %sub3A_82 : vector<1x2048xf32>
    %min3A_98 = vector.broadcast %get3A_6 : f32 to vector<1x2048xf32>
    %min3A_99 = arith.minimumf %min3A_98, %max3A_97 : vector<1x2048xf32>
    %jit3A_100 = arith.constant 0.000000e+00 : f32
    %max3A_101 = vector.broadcast %jit3A_100 : f32 to vector<1x2048xf32>
    %max3A_102 = arith.maximumf %max3A_101, %add3A_86 : vector<1x2048xf32>
    %min3A_103 = vector.broadcast %get3A_2 : f32 to vector<1x2048xf32>
    %min3A_104 = arith.minimumf %min3A_103, %max3A_102 : vector<1x2048xf32>
    %jit3A_105 = arith.constant 0.000000e+00 : f32
    %max3A_106 = vector.broadcast %jit3A_105 : f32 to vector<1x2048xf32>
    %max3A_107 = arith.maximumf %max3A_106, %add3A_90 : vector<1x2048xf32>
    %min3A_108 = vector.broadcast %get3A_6 : f32 to vector<1x2048xf32>
    %min3A_109 = arith.minimumf %min3A_108, %max3A_107 : vector<1x2048xf32>
    %sub3A_110 = arith.subf %min3A_104, %min3A_94 : vector<1x2048xf32>
    %max3A_111 = arith.constant 0.000000e+00 : f32
    %max3A_112 = vector.broadcast %max3A_111 : f32 to vector<1x2048xf32>
    %max3A_113 = arith.maximumf %sub3A_110, %max3A_112 : vector<1x2048xf32>
    %sub3A_114 = arith.subf %min3A_109, %min3A_99 : vector<1x2048xf32>
    %max3A_115 = arith.constant 0.000000e+00 : f32
    %max3A_116 = vector.broadcast %max3A_115 : f32 to vector<1x2048xf32>
    %max3A_117 = arith.maximumf %sub3A_114, %max3A_116 : vector<1x2048xf32>
    %mul3A_118 = arith.mulf %max3A_113, %max3A_117 : vector<1x2048xf32>
    %get3A_119 = arith.constant 0 : index
    %get3A_120 = arith.constant 0 : index
    %get3A_121 = vector.load %arg2[%get3A_119, %get3A_120] : memref<2048x8xi32, #tpu.memory_space<vmem>>, vector<2048x1xi32>
    %convert_element_type3A_122 = arith.sitofp %get3A_121 : vector<2048x1xi32> to vector<2048x1xf32>
    %get3A_123 = arith.constant 0 : index
    %get3A_124 = arith.constant 0 : index
    %get3A_125 = vector.load %arg3[%get3A_123, %get3A_124] : memref<2048x8xf32, #tpu.memory_space<vmem>>, vector<2048x1xf32>
    %get3A_126 = arith.constant 0 : index
    %get3A_127 = arith.constant 1 : index
    %get3A_128 = vector.load %arg3[%get3A_126, %get3A_127] : memref<2048x8xf32, #tpu.memory_space<vmem>>, vector<2048x1xf32>
    %get3A_129 = arith.constant 0 : index
    %get3A_130 = arith.constant 2 : index
    %get3A_131 = vector.load %arg3[%get3A_129, %get3A_130] : memref<2048x8xf32, #tpu.memory_space<vmem>>, vector<2048x1xf32>
    %get3A_132 = arith.constant 0 : index
    %get3A_133 = arith.constant 3 : index
    %get3A_134 = vector.load %arg3[%get3A_132, %get3A_133] : memref<2048x8xf32, #tpu.memory_space<vmem>>, vector<2048x1xf32>
    %div3A_135 = arith.constant 5.000000e+00 : f32
    %div3A_136 = vector.broadcast %div3A_135 : f32 to vector<2048x1xf32>
    %div3A_137 = arith.divf %convert_element_type3A_122, %div3A_136 : vector<2048x1xf32>
    %floor3A_138 = math.floor %div3A_137 : vector<2048x1xf32>
    %mul3A_139 = arith.constant 5.000000e+00 : f32
    %mul3A_140 = vector.broadcast %mul3A_139 : f32 to vector<2048x1xf32>
    %mul3A_141 = arith.mulf %mul3A_140, %floor3A_138 : vector<2048x1xf32>
    %sub3A_142 = arith.subf %convert_element_type3A_122, %mul3A_141 : vector<2048x1xf32>
    %div3A_143 = vector.broadcast %get3A_10 : f32 to vector<2048x1xf32>
    %div3A_144 = arith.divf %floor3A_138, %div3A_143 : vector<2048x1xf32>
    %floor3A_145 = math.floor %div3A_144 : vector<2048x1xf32>
    %mul3A_146 = vector.broadcast %get3A_10 : f32 to vector<2048x1xf32>
    %mul3A_147 = arith.mulf %mul3A_146, %floor3A_145 : vector<2048x1xf32>
    %sub3A_148 = arith.subf %floor3A_138, %mul3A_147 : vector<2048x1xf32>
    %eq3A_149 = arith.constant 0.000000e+00 : f32
    %eq3A_150 = vector.broadcast %eq3A_149 : f32 to vector<2048x1xf32>
    %eq3A_151 = arith.cmpf oeq, %sub3A_142, %eq3A_150 : vector<2048x1xf32>
    %eq3A_152 = arith.constant 1.000000e+00 : f32
    %eq3A_153 = vector.broadcast %eq3A_152 : f32 to vector<2048x1xf32>
    %eq3A_154 = arith.cmpf oeq, %sub3A_142, %eq3A_153 : vector<2048x1xf32>
    %eq3A_155 = arith.constant 2.000000e+00 : f32
    %eq3A_156 = vector.broadcast %eq3A_155 : f32 to vector<2048x1xf32>
    %eq3A_157 = arith.cmpf oeq, %sub3A_142, %eq3A_156 : vector<2048x1xf32>
    %eq3A_158 = arith.constant 3.000000e+00 : f32
    %eq3A_159 = vector.broadcast %eq3A_158 : f32 to vector<2048x1xf32>
    %eq3A_160 = arith.cmpf oeq, %sub3A_142, %eq3A_159 : vector<2048x1xf32>
    %jit3A_161 = arith.constant 2.560000e+02 : f32
    %jit3A_162 = arith.constant 5.120000e+02 : f32
    %broadcast_in_dim3A_163 = vector.broadcast %jit3A_161 : f32 to vector<2048x1xf32>
    %broadcast_in_dim3A_164 = vector.broadcast %jit3A_162 : f32 to vector<2048x1xf32>
    %select_n3A_165 = arith.select %eq3A_160, %broadcast_in_dim3A_163, %broadcast_in_dim3A_164 : vector<2048x1xi1>, vector<2048x1xf32>
    %jit3A_166 = arith.constant 1.280000e+02 : f32
    %broadcast_in_dim3A_167 = vector.broadcast %jit3A_166 : f32 to vector<2048x1xf32>
    %select_n3A_168 = arith.select %eq3A_157, %broadcast_in_dim3A_167, %select_n3A_165 : vector<2048x1xi1>, vector<2048x1xf32>
    %jit3A_169 = arith.constant 6.400000e+01 : f32
    %broadcast_in_dim3A_170 = vector.broadcast %jit3A_169 : f32 to vector<2048x1xf32>
    %select_n3A_171 = arith.select %eq3A_154, %broadcast_in_dim3A_170, %select_n3A_168 : vector<2048x1xi1>, vector<2048x1xf32>
    %jit3A_172 = arith.constant 3.200000e+01 : f32
    %broadcast_in_dim3A_173 = vector.broadcast %jit3A_172 : f32 to vector<2048x1xf32>
    %select_n3A_174 = arith.select %eq3A_151, %broadcast_in_dim3A_173, %select_n3A_171 : vector<2048x1xi1>, vector<2048x1xf32>
    %mul3A_175 = arith.constant 8.000000e+00 : f32
    %mul3A_176 = vector.broadcast %mul3A_175 : f32 to vector<2048x1xf32>
    %mul3A_177 = arith.mulf %sub3A_148, %mul3A_176 : vector<2048x1xf32>
    %mul3A_178 = arith.constant 8.000000e+00 : f32
    %mul3A_179 = vector.broadcast %mul3A_178 : f32 to vector<2048x1xf32>
    %mul3A_180 = arith.mulf %floor3A_145, %mul3A_179 : vector<2048x1xf32>
    %min3A_181 = arith.constant 4.13516665 : f32
    %min3A_182 = vector.broadcast %min3A_181 : f32 to vector<2048x1xf32>
    %min3A_183 = arith.minimumf %get3A_131, %min3A_182 : vector<2048x1xf32>
    %min3A_184 = arith.constant 4.13516665 : f32
    %min3A_185 = vector.broadcast %min3A_184 : f32 to vector<2048x1xf32>
    %min3A_186 = arith.minimumf %get3A_134, %min3A_185 : vector<2048x1xf32>
    %mul3A_187 = arith.mulf %get3A_125, %select_n3A_174 : vector<2048x1xf32>
    %add3A_188 = arith.addf %mul3A_187, %mul3A_177 : vector<2048x1xf32>
    %mul3A_189 = arith.mulf %get3A_128, %select_n3A_174 : vector<2048x1xf32>
    %add3A_190 = arith.addf %mul3A_189, %mul3A_180 : vector<2048x1xf32>
    %exp3A_191 = math.exp %min3A_183 : vector<2048x1xf32>
    %mul3A_192 = arith.mulf %exp3A_191, %select_n3A_174 : vector<2048x1xf32>
    %exp3A_193 = math.exp %min3A_186 : vector<2048x1xf32>
    %mul3A_194 = arith.mulf %exp3A_193, %select_n3A_174 : vector<2048x1xf32>
    %mul3A_195 = arith.constant 5.000000e-01 : f32
    %mul3A_196 = vector.broadcast %mul3A_195 : f32 to vector<2048x1xf32>
    %mul3A_197 = arith.mulf %mul3A_196, %mul3A_192 : vector<2048x1xf32>
    %sub3A_198 = arith.subf %add3A_188, %mul3A_197 : vector<2048x1xf32>
    %mul3A_199 = arith.constant 5.000000e-01 : f32
    %mul3A_200 = vector.broadcast %mul3A_199 : f32 to vector<2048x1xf32>
    %mul3A_201 = arith.mulf %mul3A_200, %mul3A_194 : vector<2048x1xf32>
    %sub3A_202 = arith.subf %add3A_190, %mul3A_201 : vector<2048x1xf32>
    %mul3A_203 = arith.constant 5.000000e-01 : f32
    %mul3A_204 = vector.broadcast %mul3A_203 : f32 to vector<2048x1xf32>
    %mul3A_205 = arith.mulf %mul3A_204, %mul3A_192 : vector<2048x1xf32>
    %add3A_206 = arith.addf %add3A_188, %mul3A_205 : vector<2048x1xf32>
    %mul3A_207 = arith.constant 5.000000e-01 : f32
    %mul3A_208 = vector.broadcast %mul3A_207 : f32 to vector<2048x1xf32>
    %mul3A_209 = arith.mulf %mul3A_208, %mul3A_194 : vector<2048x1xf32>
    %add3A_210 = arith.addf %add3A_190, %mul3A_209 : vector<2048x1xf32>
    %jit3A_211 = arith.constant 0.000000e+00 : f32
    %max3A_212 = vector.broadcast %jit3A_211 : f32 to vector<2048x1xf32>
    %max3A_213 = arith.maximumf %max3A_212, %sub3A_198 : vector<2048x1xf32>
    %min3A_214 = vector.broadcast %get3A_2 : f32 to vector<2048x1xf32>
    %min3A_215 = arith.minimumf %min3A_214, %max3A_213 : vector<2048x1xf32>
    %jit3A_216 = arith.constant 0.000000e+00 : f32
    %max3A_217 = vector.broadcast %jit3A_216 : f32 to vector<2048x1xf32>
    %max3A_218 = arith.maximumf %max3A_217, %sub3A_202 : vector<2048x1xf32>
    %min3A_219 = vector.broadcast %get3A_6 : f32 to vector<2048x1xf32>
    %min3A_220 = arith.minimumf %min3A_219, %max3A_218 : vector<2048x1xf32>
    %jit3A_221 = arith.constant 0.000000e+00 : f32
    %max3A_222 = vector.broadcast %jit3A_221 : f32 to vector<2048x1xf32>
    %max3A_223 = arith.maximumf %max3A_222, %add3A_206 : vector<2048x1xf32>
    %min3A_224 = vector.broadcast %get3A_2 : f32 to vector<2048x1xf32>
    %min3A_225 = arith.minimumf %min3A_224, %max3A_223 : vector<2048x1xf32>
    %jit3A_226 = arith.constant 0.000000e+00 : f32
    %max3A_227 = vector.broadcast %jit3A_226 : f32 to vector<2048x1xf32>
    %max3A_228 = arith.maximumf %max3A_227, %add3A_210 : vector<2048x1xf32>
    %min3A_229 = vector.broadcast %get3A_6 : f32 to vector<2048x1xf32>
    %min3A_230 = arith.minimumf %min3A_229, %max3A_228 : vector<2048x1xf32>
    %sub3A_231 = arith.subf %min3A_225, %min3A_215 : vector<2048x1xf32>
    %max3A_232 = arith.constant 0.000000e+00 : f32
    %max3A_233 = vector.broadcast %max3A_232 : f32 to vector<2048x1xf32>
    %max3A_234 = arith.maximumf %sub3A_231, %max3A_233 : vector<2048x1xf32>
    %sub3A_235 = arith.subf %min3A_230, %min3A_220 : vector<2048x1xf32>
    %max3A_236 = arith.constant 0.000000e+00 : f32
    %max3A_237 = vector.broadcast %max3A_236 : f32 to vector<2048x1xf32>
    %max3A_238 = arith.maximumf %sub3A_235, %max3A_237 : vector<2048x1xf32>
    %mul3A_239 = arith.mulf %max3A_234, %max3A_238 : vector<2048x1xf32>
    %iota3A = tpu.iota {dimensions = array<i32: 1>} : vector<1x128xi32>
    %broadcast_in_dim3A_240 = arith.constant 0.000000e+00 : f32
    %broadcast_in_dim3A_241 = vector.broadcast %broadcast_in_dim3A_240 : f32 to vector<1x2048xf32>
    %swap3A = arith.constant 0 : index
    %swap3A_242 = arith.constant 0 : index
    %swap3A_243 = vector.load %arg8[%swap3A, %swap3A_242] : memref<1x2048xf32, #tpu.memory_space<vmem>>, vector<1x2048xf32>
    tpu.vector_store %arg8[%swap3A, %swap3A_242], %broadcast_in_dim3A_241 {strides = array<i32>} : memref<1x2048xf32, #tpu.memory_space<vmem>>, vector<1x2048xf32>,
    %slice3A = vector.extract_strided_slice %min3A_215 {offsets = [0, 0], sizes = [128, 1], strides = [1, 1]} : vector<2048x1xf32> to vector<128x1xf32>
    %slice3A_244 = vector.extract_strided_slice %min3A_220 {offsets = [0, 0], sizes = [128, 1], strides = [1, 1]} : vector<2048x1xf32> to vector<128x1xf32>
    %slice3A_245 = vector.extract_strided_slice %min3A_225 {offsets = [0, 0], sizes = [128, 1], strides = [1, 1]} : vector<2048x1xf32> to vector<128x1xf32>
    %slice3A_246 = vector.extract_strided_slice %min3A_230 {offsets = [0, 0], sizes = [128, 1], strides = [1, 1]} : vector<2048x1xf32> to vector<128x1xf32>
    %slice3A_247 = vector.extract_strided_slice %mul3A_239 {offsets = [0, 0], sizes = [128, 1], strides = [1, 1]} : vector<2048x1xf32> to vector<128x1xf32>
    %max3A_248 = vector.broadcast %slice3A : vector<128x1xf32> to vector<128x2048xf32>
    %max3A_249 = vector.broadcast %min3A_94 : vector<1x2048xf32> to vector<128x2048xf32>
    %max3A_250 = arith.maximumf %max3A_248, %max3A_249 : vector<128x2048xf32>
    %max3A_251 = vector.broadcast %slice3A_244 : vector<128x1xf32> to vector<128x2048xf32>
    %max3A_252 = vector.broadcast %min3A_99 : vector<1x2048xf32> to vector<128x2048xf32>
    %max3A_253 = arith.maximumf %max3A_251, %max3A_252 : vector<128x2048xf32>
    %min3A_254 = vector.broadcast %slice3A_245 : vector<128x1xf32> to vector<128x2048xf32>
    %min3A_255 = vector.broadcast %min3A_104 : vector<1x2048xf32> to vector<128x2048xf32>
    %min3A_256 = arith.minimumf %min3A_254, %min3A_255 : vector<128x2048xf32>
    %min3A_257 = vector.broadcast %slice3A_246 : vector<128x1xf32> to vector<128x2048xf32>
    %min3A_258 = vector.broadcast %min3A_109 : vector<1x2048xf32> to vector<128x2048xf32>
    %min3A_259 = arith.minimumf %min3A_257, %min3A_258 : vector<128x2048xf32>
    %sub3A_260 = arith.subf %min3A_256, %max3A_250 : vector<128x2048xf32>
    %max3A_261 = arith.constant 0.000000e+00 : f32
    %max3A_262 = vector.broadcast %max3A_261 : f32 to vector<128x2048xf32>
    %max3A_263 = arith.maximumf %sub3A_260, %max3A_262 : vector<128x2048xf32>
    %sub3A_264 = arith.subf %min3A_259, %max3A_253 : vector<128x2048xf32>
    %max3A_265 = arith.constant 0.000000e+00 : f32
    %max3A_266 = vector.broadcast %max3A_265 : f32 to vector<128x2048xf32>
    %max3A_267 = arith.maximumf %sub3A_264, %max3A_266 : vector<128x2048xf32>
    %mul3A_268 = arith.mulf %max3A_263, %max3A_267 : vector<128x2048xf32>
    %add3A_269 = vector.broadcast %slice3A_247 : vector<128x1xf32> to vector<128x2048xf32>
    %add3A_270 = vector.broadcast %mul3A_118 : vector<1x2048xf32> to vector<128x2048xf32>
    %add3A_271 = arith.addf %add3A_269, %add3A_270 : vector<128x2048xf32>
    %sub3A_272 = arith.subf %add3A_271, %mul3A_268 : vector<128x2048xf32>
    %max3A_273 = arith.constant 9.99999971E-10 : f32
    %max3A_274 = vector.broadcast %max3A_273 : f32 to vector<128x2048xf32>
    %max3A_275 = arith.maximumf %sub3A_272, %max3A_274 : vector<128x2048xf32>
    %div3A_276 = arith.divf %mul3A_268, %max3A_275 : vector<128x2048xf32>
    %gt3A = arith.constant 0.699999988 : f32
    %gt3A_277 = vector.broadcast %gt3A : f32 to vector<128x2048xf32>
    %gt3A_278 = arith.cmpf ogt, %div3A_276, %gt3A_277 : vector<128x2048xf32>
    %convert_element_type3A_279 = arith.extui %gt3A_278 : vector<128x2048xi1> to vector<128x2048xi32>
    %convert_element_type3A_280 = arith.sitofp %convert_element_type3A_279 : vector<128x2048xi32> to vector<128x2048xf32>
    %slice3A_281 = vector.extract_strided_slice %convert_element_type3A_280 {offsets = [0, 0], sizes = [128, 128], strides = [1, 1]} : vector<128x2048xf32> to vector<128x128xf32>
    %swap3A_282 = arith.constant 0 : index
    %swap3A_283 = arith.constant 0 : index
    %swap3A_284 = vector.load %arg7[%swap3A_282, %swap3A_283] : memref<128x128xf32, #tpu.memory_space<vmem>>, vector<128x128xf32>
    tpu.vector_store %arg7[%swap3A_282, %swap3A_283], %slice3A_281 {strides = array<i32>} : memref<128x128xf32, #tpu.memory_space<vmem>>, vector<128x128xf32>,
    %get3A_285 = arith.constant 0 : index
    %get3A_286 = arith.constant 0 : index
    %get3A_287 = vector.load %arg8[%get3A_285, %get3A_286] : memref<1x2048xf32, #tpu.memory_space<vmem>>, vector<1x128xf32>
    %scan3A = arith.constant 0 : i32
    %scan3A_288 = arith.constant 128 : i32
    %scan3A_289 = arith.addi %scan3A, %scan3A_288 : i32
    %scan3A_290 = arith.constant 1 : i32
    %scan3A_291 = scf.for %scan3A_1489 = %scan3A to %scan3A_289 step %scan3A_290 iter_args(%scan3A_1490 = %get3A_287) -> (vector<1x128xf32>)  : i32 {
      %eq3A_1491 = vector.broadcast %scan3A_1489 : i32 to vector<1x128xi32>
      %eq3A_1492 = arith.cmpi eq, %iota3A, %eq3A_1491 : vector<1x128xi32>
      %convert_element_type3A_1493 = arith.extui %eq3A_1492 : vector<1x128xi1> to vector<1x128xi32>
      %convert_element_type3A_1494 = arith.sitofp %convert_element_type3A_1493 : vector<1x128xi32> to vector<1x128xf32>
      %mul3A_1495 = arith.mulf %scan3A_1490, %convert_element_type3A_1494 : vector<1x128xf32>
      %reduce_sum3A = vector.shape_cast %mul3A_1495 : vector<1x128xf32> to vector<1x1x128xf32>
      %reduce_sum3A_1496 = arith.constant dense<0.000000e+00> : vector<1xf32>
      %reduce_sum3A_1497 = vector.multi_reduction <add>, %reduce_sum3A, %reduce_sum3A_1496 [1, 2] : vector<1x1x128xf32> to vector<1xf32>
      %reduce_sum3A_1498 = vector.shape_cast %reduce_sum3A_1497 : vector<1xf32> to vector<1x1x1xf32>
      %reduce_sum3A_1499 = vector.extract %reduce_sum3A_1498[0, 0, 0] : f32 from vector<1x1x1xf32>
      %sub3A_1500 = arith.constant 1.000000e+00 : f32
      %sub3A_1501 = arith.subf %sub3A_1500, %reduce_sum3A_1499 : f32
      %get3A_1502 = arith.index_cast %scan3A_1489 : i32 to index
      %get3A_1503 = arith.constant 0 : index
      %get3A_1504 = vector.load %arg7[%get3A_1502, %get3A_1503] : memref<128x128xf32, #tpu.memory_space<vmem>>, vector<1x128xf32>
      %mul3A_1505 = vector.broadcast %sub3A_1501 : f32 to vector<1x128xf32>
      %mul3A_1506 = arith.mulf %mul3A_1505, %get3A_1504 : vector<1x128xf32>
      %gt3A_1507 = vector.broadcast %scan3A_1489 : i32 to vector<1x128xi32>
      %gt3A_1508 = arith.cmpi sgt, %iota3A, %gt3A_1507 : vector<1x128xi32>
      %convert_element_type3A_1509 = arith.extui %gt3A_1508 : vector<1x128xi1> to vector<1x128xi32>
      %convert_element_type3A_1510 = arith.sitofp %convert_element_type3A_1509 : vector<1x128xi32> to vector<1x128xf32>
      %mul3A_1511 = arith.mulf %mul3A_1506, %convert_element_type3A_1510 : vector<1x128xf32>
      %max3A_1512 = arith.maximumf %scan3A_1490, %mul3A_1511 : vector<1x128xf32>
      scf.yield %max3A_1512 : vector<1x128xf32>
    }
    %scan3A_292 = arith.constant 128 : i32
    %swap3A_293 = arith.constant 0 : index
    %swap3A_294 = arith.constant 0 : index
    %swap3A_295 = vector.load %arg8[%swap3A_293, %swap3A_294] : memref<1x2048xf32, #tpu.memory_space<vmem>>, vector<1x128xf32>
    tpu.vector_store %arg8[%swap3A_293, %swap3A_294], %scan3A_291 {strides = array<i32>} : memref<1x2048xf32, #tpu.memory_space<vmem>>, vector<1x128xf32>,
    %sub3A_296 = arith.constant 1.000000e+00 : f32
    %sub3A_297 = vector.broadcast %sub3A_296 : f32 to vector<1x128xf32>
    %sub3A_298 = arith.subf %sub3A_297, %scan3A_291 : vector<1x128xf32>
    %slice3A_299 = vector.extract_strided_slice %convert_element_type3A_280 {offsets = [0, 128], sizes = [128, 1920], strides = [1, 1]} : vector<128x2048xf32> to vector<128x1920xf32>
    %dot_general3A = arith.constant dense<0.000000e+00> : vector<1x1920xf32>
    %dot_general3A_300 = tpu.matmul %sub3A_298, %slice3A_299, %dot_general3A {dimension_numbers = #tpu.dot_dimension_numbers<[1], [0], [0], [1], [0, 0, 1, 1], [], []>, transpose_lhs_hint = false} : vector<1x128xf32>, vector<128x1920xf32>, vector<1x1920xf32> -> vector<1x1920xf32>
    %get3A_301 = arith.constant 0 : index
    %get3A_302 = arith.constant 128 : index
    %get3A_303 = vector.load %arg8[%get3A_301, %get3A_302] : memref<1x2048xf32, #tpu.memory_space<vmem>>, vector<1x1920xf32>
    %gt3A_304 = arith.constant 5.000000e-01 : f32
    %gt3A_305 = vector.broadcast %gt3A_304 : f32 to vector<1x1920xf32>
    %gt3A_306 = arith.cmpf ogt, %dot_general3A_300, %gt3A_305 : vector<1x1920xf32>
    %convert_element_type3A_307 = arith.extui %gt3A_306 : vector<1x1920xi1> to vector<1x1920xi32>
    %convert_element_type3A_308 = arith.sitofp %convert_element_type3A_307 : vector<1x1920xi32> to vector<1x1920xf32>
    %max3A_309 = arith.maximumf %get3A_303, %convert_element_type3A_308 : vector<1x1920xf32>
    %swap3A_310 = arith.constant 0 : index
    %swap3A_311 = arith.constant 128 : index
    %swap3A_312 = vector.load %arg8[%swap3A_310, %swap3A_311] : memref<1x2048xf32, #tpu.memory_space<vmem>>, vector<1x1920xf32>
    tpu.vector_store %arg8[%swap3A_310, %swap3A_311], %max3A_309 {strides = array<i32>} : memref<1x2048xf32, #tpu.memory_space<vmem>>, vector<1x1920xf32>,
    %slice3A_313 = vector.extract_strided_slice %min3A_215 {offsets = [128, 0], sizes = [128, 1], strides = [1, 1]} : vector<2048x1xf32> to vector<128x1xf32>
    %slice3A_314 = vector.extract_strided_slice %min3A_220 {offsets = [128, 0], sizes = [128, 1], strides = [1, 1]} : vector<2048x1xf32> to vector<128x1xf32>
    %slice3A_315 = vector.extract_strided_slice %min3A_225 {offsets = [128, 0], sizes = [128, 1], strides = [1, 1]} : vector<2048x1xf32> to vector<128x1xf32>
    %slice3A_316 = vector.extract_strided_slice %min3A_230 {offsets = [128, 0], sizes = [128, 1], strides = [1, 1]} : vector<2048x1xf32> to vector<128x1xf32>
    %slice3A_317 = vector.extract_strided_slice %mul3A_239 {offsets = [128, 0], sizes = [128, 1], strides = [1, 1]} : vector<2048x1xf32> to vector<128x1xf32>
    %slice3A_318 = vector.extract_strided_slice %min3A_94 {offsets = [0, 128], sizes = [1, 1920], strides = [1, 1]} : vector<1x2048xf32> to vector<1x1920xf32>
    %max3A_319 = vector.broadcast %slice3A_313 : vector<128x1xf32> to vector<128x1920xf32>
    %max3A_320 = vector.broadcast %slice3A_318 : vector<1x1920xf32> to vector<128x1920xf32>
    %max3A_321 = arith.maximumf %max3A_319, %max3A_320 : vector<128x1920xf32>
    %slice3A_322 = vector.extract_strided_slice %min3A_99 {offsets = [0, 128], sizes = [1, 1920], strides = [1, 1]} : vector<1x2048xf32> to vector<1x1920xf32>
    %max3A_323 = vector.broadcast %slice3A_314 : vector<128x1xf32> to vector<128x1920xf32>
    %max3A_324 = vector.broadcast %slice3A_322 : vector<1x1920xf32> to vector<128x1920xf32>
    %max3A_325 = arith.maximumf %max3A_323, %max3A_324 : vector<128x1920xf32>
    %slice3A_326 = vector.extract_strided_slice %min3A_104 {offsets = [0, 128], sizes = [1, 1920], strides = [1, 1]} : vector<1x2048xf32> to vector<1x1920xf32>
    %min3A_327 = vector.broadcast %slice3A_315 : vector<128x1xf32> to vector<128x1920xf32>
    %min3A_328 = vector.broadcast %slice3A_326 : vector<1x1920xf32> to vector<128x1920xf32>
    %min3A_329 = arith.minimumf %min3A_327, %min3A_328 : vector<128x1920xf32>
    %slice3A_330 = vector.extract_strided_slice %min3A_109 {offsets = [0, 128], sizes = [1, 1920], strides = [1, 1]} : vector<1x2048xf32> to vector<1x1920xf32>
    %min3A_331 = vector.broadcast %slice3A_316 : vector<128x1xf32> to vector<128x1920xf32>
    %min3A_332 = vector.broadcast %slice3A_330 : vector<1x1920xf32> to vector<128x1920xf32>
    %min3A_333 = arith.minimumf %min3A_331, %min3A_332 : vector<128x1920xf32>
    %sub3A_334 = arith.subf %min3A_329, %max3A_321 : vector<128x1920xf32>
    %max3A_335 = arith.constant 0.000000e+00 : f32
    %max3A_336 = vector.broadcast %max3A_335 : f32 to vector<128x1920xf32>
    %max3A_337 = arith.maximumf %sub3A_334, %max3A_336 : vector<128x1920xf32>
    %sub3A_338 = arith.subf %min3A_333, %max3A_325 : vector<128x1920xf32>
    %max3A_339 = arith.constant 0.000000e+00 : f32
    %max3A_340 = vector.broadcast %max3A_339 : f32 to vector<128x1920xf32>
    %max3A_341 = arith.maximumf %sub3A_338, %max3A_340 : vector<128x1920xf32>
    %mul3A_342 = arith.mulf %max3A_337, %max3A_341 : vector<128x1920xf32>
    %slice3A_343 = vector.extract_strided_slice %mul3A_118 {offsets = [0, 128], sizes = [1, 1920], strides = [1, 1]} : vector<1x2048xf32> to vector<1x1920xf32>
    %add3A_344 = vector.broadcast %slice3A_317 : vector<128x1xf32> to vector<128x1920xf32>
    %add3A_345 = vector.broadcast %slice3A_343 : vector<1x1920xf32> to vector<128x1920xf32>
    %add3A_346 = arith.addf %add3A_344, %add3A_345 : vector<128x1920xf32>
    %sub3A_347 = arith.subf %add3A_346, %mul3A_342 : vector<128x1920xf32>
    %max3A_348 = arith.constant 9.99999971E-10 : f32
    %max3A_349 = vector.broadcast %max3A_348 : f32 to vector<128x1920xf32>
    %max3A_350 = arith.maximumf %sub3A_347, %max3A_349 : vector<128x1920xf32>
    %div3A_351 = arith.divf %mul3A_342, %max3A_350 : vector<128x1920xf32>
    %gt3A_352 = arith.constant 0.699999988 : f32
    %gt3A_353 = vector.broadcast %gt3A_352 : f32 to vector<128x1920xf32>
    %gt3A_354 = arith.cmpf ogt, %div3A_351, %gt3A_353 : vector<128x1920xf32>
    %convert_element_type3A_355 = arith.extui %gt3A_354 : vector<128x1920xi1> to vector<128x1920xi32>
    %convert_element_type3A_356 = arith.sitofp %convert_element_type3A_355 : vector<128x1920xi32> to vector<128x1920xf32>
    %slice3A_357 = vector.extract_strided_slice %convert_element_type3A_356 {offsets = [0, 0], sizes = [128, 128], strides = [1, 1]} : vector<128x1920xf32> to vector<128x128xf32>
    %swap3A_358 = arith.constant 0 : index
    %swap3A_359 = arith.constant 0 : index
    %swap3A_360 = vector.load %arg7[%swap3A_358, %swap3A_359] : memref<128x128xf32, #tpu.memory_space<vmem>>, vector<128x128xf32>
    tpu.vector_store %arg7[%swap3A_358, %swap3A_359], %slice3A_357 {strides = array<i32>} : memref<128x128xf32, #tpu.memory_space<vmem>>, vector<128x128xf32>,
    %get3A_361 = arith.constant 0 : index
    %get3A_362 = arith.constant 128 : index
    %get3A_363 = vector.load %arg8[%get3A_361, %get3A_362] : memref<1x2048xf32, #tpu.memory_space<vmem>>, vector<1x128xf32>
    %scan3A_364 = arith.constant 0 : i32
    %scan3A_365 = arith.constant 128 : i32
    %scan3A_366 = arith.addi %scan3A_364, %scan3A_365 : i32
    %scan3A_367 = arith.constant 1 : i32
    %scan3A_368 = scf.for %scan3A_1489 = %scan3A_364 to %scan3A_366 step %scan3A_367 iter_args(%scan3A_1490 = %get3A_363) -> (vector<1x128xf32>)  : i32 {
      %eq3A_1491 = vector.broadcast %scan3A_1489 : i32 to vector<1x128xi32>
      %eq3A_1492 = arith.cmpi eq, %iota3A, %eq3A_1491 : vector<1x128xi32>
      %convert_element_type3A_1493 = arith.extui %eq3A_1492 : vector<1x128xi1> to vector<1x128xi32>
      %convert_element_type3A_1494 = arith.sitofp %convert_element_type3A_1493 : vector<1x128xi32> to vector<1x128xf32>
      %mul3A_1495 = arith.mulf %scan3A_1490, %convert_element_type3A_1494 : vector<1x128xf32>
      %reduce_sum3A = vector.shape_cast %mul3A_1495 : vector<1x128xf32> to vector<1x1x128xf32>
      %reduce_sum3A_1496 = arith.constant dense<0.000000e+00> : vector<1xf32>
      %reduce_sum3A_1497 = vector.multi_reduction <add>, %reduce_sum3A, %reduce_sum3A_1496 [1, 2] : vector<1x1x128xf32> to vector<1xf32>
      %reduce_sum3A_1498 = vector.shape_cast %reduce_sum3A_1497 : vector<1xf32> to vector<1x1x1xf32>
      %reduce_sum3A_1499 = vector.extract %reduce_sum3A_1498[0, 0, 0] : f32 from vector<1x1x1xf32>
      %sub3A_1500 = arith.constant 1.000000e+00 : f32
      %sub3A_1501 = arith.subf %sub3A_1500, %reduce_sum3A_1499 : f32
      %get3A_1502 = arith.index_cast %scan3A_1489 : i32 to index
      %get3A_1503 = arith.constant 0 : index
      %get3A_1504 = vector.load %arg7[%get3A_1502, %get3A_1503] : memref<128x128xf32, #tpu.memory_space<vmem>>, vector<1x128xf32>
      %mul3A_1505 = vector.broadcast %sub3A_1501 : f32 to vector<1x128xf32>
      %mul3A_1506 = arith.mulf %mul3A_1505, %get3A_1504 : vector<1x128xf32>
      %gt3A_1507 = vector.broadcast %scan3A_1489 : i32 to vector<1x128xi32>
      %gt3A_1508 = arith.cmpi sgt, %iota3A, %gt3A_1507 : vector<1x128xi32>
      %convert_element_type3A_1509 = arith.extui %gt3A_1508 : vector<1x128xi1> to vector<1x128xi32>
      %convert_element_type3A_1510 = arith.sitofp %convert_element_type3A_1509 : vector<1x128xi32> to vector<1x128xf32>
      %mul3A_1511 = arith.mulf %mul3A_1506, %convert_element_type3A_1510 : vector<1x128xf32>
      %max3A_1512 = arith.maximumf %scan3A_1490, %mul3A_1511 : vector<1x128xf32>
      scf.yield %max3A_1512 : vector<1x128xf32>
    }
    %scan3A_369 = arith.constant 128 : i32
    %swap3A_370 = arith.constant 0 : index
    %swap3A_371 = arith.constant 128 : index
    %swap3A_372 = vector.load %arg8[%swap3A_370, %swap3A_371] : memref<1x2048xf32, #tpu.memory_space<vmem>>, vector<1x128xf32>
    tpu.vector_store %arg8[%swap3A_370, %swap3A_371], %scan3A_368 {strides = array<i32>} : memref<1x2048xf32, #tpu.memory_space<vmem>>, vector<1x128xf32>,
    %sub3A_373 = arith.constant 1.000000e+00 : f32
    %sub3A_374 = vector.broadcast %sub3A_373 : f32 to vector<1x128xf32>
    %sub3A_375 = arith.subf %sub3A_374, %scan3A_368 : vector<1x128xf32>
    %slice3A_376 = vector.extract_strided_slice %convert_element_type3A_356 {offsets = [0, 128], sizes = [128, 1792], strides = [1, 1]} : vector<128x1920xf32> to vector<128x1792xf32>
    %dot_general3A_377 = arith.constant dense<0.000000e+00> : vector<1x1792xf32>
    %dot_general3A_378 = tpu.matmul %sub3A_375, %slice3A_376, %dot_general3A_377 {dimension_numbers = #tpu.dot_dimension_numbers<[1], [0], [0], [1], [0, 0, 1, 1], [], []>, transpose_lhs_hint = false} : vector<1x128xf32>, vector<128x1792xf32>, vector<1x1792xf32> -> vector<1x1792xf32>
    %get3A_379 = arith.constant 0 : index
    %get3A_380 = arith.constant 256 : index
    %get3A_381 = vector.load %arg8[%get3A_379, %get3A_380] : memref<1x2048xf32, #tpu.memory_space<vmem>>, vector<1x1792xf32>
    %gt3A_382 = arith.constant 5.000000e-01 : f32
    %gt3A_383 = vector.broadcast %gt3A_382 : f32 to vector<1x1792xf32>
    %gt3A_384 = arith.cmpf ogt, %dot_general3A_378, %gt3A_383 : vector<1x1792xf32>
    %convert_element_type3A_385 = arith.extui %gt3A_384 : vector<1x1792xi1> to vector<1x1792xi32>
    %convert_element_type3A_386 = arith.sitofp %convert_element_type3A_385 : vector<1x1792xi32> to vector<1x1792xf32>
    %max3A_387 = arith.maximumf %get3A_381, %convert_element_type3A_386 : vector<1x1792xf32>
    %swap3A_388 = arith.constant 0 : index
    %swap3A_389 = arith.constant 256 : index
    %swap3A_390 = vector.load %arg8[%swap3A_388, %swap3A_389] : memref<1x2048xf32, #tpu.memory_space<vmem>>, vector<1x1792xf32>
    tpu.vector_store %arg8[%swap3A_388, %swap3A_389], %max3A_387 {strides = array<i32>} : memref<1x2048xf32, #tpu.memory_space<vmem>>, vector<1x1792xf32>,
    %slice3A_391 = vector.extract_strided_slice %min3A_215 {offsets = [256, 0], sizes = [128, 1], strides = [1, 1]} : vector<2048x1xf32> to vector<128x1xf32>
    %slice3A_392 = vector.extract_strided_slice %min3A_220 {offsets = [256, 0], sizes = [128, 1], strides = [1, 1]} : vector<2048x1xf32> to vector<128x1xf32>
    %slice3A_393 = vector.extract_strided_slice %min3A_225 {offsets = [256, 0], sizes = [128, 1], strides = [1, 1]} : vector<2048x1xf32> to vector<128x1xf32>
    %slice3A_394 = vector.extract_strided_slice %min3A_230 {offsets = [256, 0], sizes = [128, 1], strides = [1, 1]} : vector<2048x1xf32> to vector<128x1xf32>
    %slice3A_395 = vector.extract_strided_slice %mul3A_239 {offsets = [256, 0], sizes = [128, 1], strides = [1, 1]} : vector<2048x1xf32> to vector<128x1xf32>
    %slice3A_396 = vector.extract_strided_slice %min3A_94 {offsets = [0, 256], sizes = [1, 1792], strides = [1, 1]} : vector<1x2048xf32> to vector<1x1792xf32>
    %max3A_397 = vector.broadcast %slice3A_391 : vector<128x1xf32> to vector<128x1792xf32>
    %max3A_398 = vector.broadcast %slice3A_396 : vector<1x1792xf32> to vector<128x1792xf32>
    %max3A_399 = arith.maximumf %max3A_397, %max3A_398 : vector<128x1792xf32>
    %slice3A_400 = vector.extract_strided_slice %min3A_99 {offsets = [0, 256], sizes = [1, 1792], strides = [1, 1]} : vector<1x2048xf32> to vector<1x1792xf32>
    %max3A_401 = vector.broadcast %slice3A_392 : vector<128x1xf32> to vector<128x1792xf32>
    %max3A_402 = vector.broadcast %slice3A_400 : vector<1x1792xf32> to vector<128x1792xf32>
    %max3A_403 = arith.maximumf %max3A_401, %max3A_402 : vector<128x1792xf32>
    %slice3A_404 = vector.extract_strided_slice %min3A_104 {offsets = [0, 256], sizes = [1, 1792], strides = [1, 1]} : vector<1x2048xf32> to vector<1x1792xf32>
    %min3A_405 = vector.broadcast %slice3A_393 : vector<128x1xf32> to vector<128x1792xf32>
    %min3A_406 = vector.broadcast %slice3A_404 : vector<1x1792xf32> to vector<128x1792xf32>
    %min3A_407 = arith.minimumf %min3A_405, %min3A_406 : vector<128x1792xf32>
    %slice3A_408 = vector.extract_strided_slice %min3A_109 {offsets = [0, 256], sizes = [1, 1792], strides = [1, 1]} : vector<1x2048xf32> to vector<1x1792xf32>
    %min3A_409 = vector.broadcast %slice3A_394 : vector<128x1xf32> to vector<128x1792xf32>
    %min3A_410 = vector.broadcast %slice3A_408 : vector<1x1792xf32> to vector<128x1792xf32>
    %min3A_411 = arith.minimumf %min3A_409, %min3A_410 : vector<128x1792xf32>
    %sub3A_412 = arith.subf %min3A_407, %max3A_399 : vector<128x1792xf32>
    %max3A_413 = arith.constant 0.000000e+00 : f32
    %max3A_414 = vector.broadcast %max3A_413 : f32 to vector<128x1792xf32>
    %max3A_415 = arith.maximumf %sub3A_412, %max3A_414 : vector<128x1792xf32>
    %sub3A_416 = arith.subf %min3A_411, %max3A_403 : vector<128x1792xf32>
    %max3A_417 = arith.constant 0.000000e+00 : f32
    %max3A_418 = vector.broadcast %max3A_417 : f32 to vector<128x1792xf32>
    %max3A_419 = arith.maximumf %sub3A_416, %max3A_418 : vector<128x1792xf32>
    %mul3A_420 = arith.mulf %max3A_415, %max3A_419 : vector<128x1792xf32>
    %slice3A_421 = vector.extract_strided_slice %mul3A_118 {offsets = [0, 256], sizes = [1, 1792], strides = [1, 1]} : vector<1x2048xf32> to vector<1x1792xf32>
    %add3A_422 = vector.broadcast %slice3A_395 : vector<128x1xf32> to vector<128x1792xf32>
    %add3A_423 = vector.broadcast %slice3A_421 : vector<1x1792xf32> to vector<128x1792xf32>
    %add3A_424 = arith.addf %add3A_422, %add3A_423 : vector<128x1792xf32>
    %sub3A_425 = arith.subf %add3A_424, %mul3A_420 : vector<128x1792xf32>
    %max3A_426 = arith.constant 9.99999971E-10 : f32
    %max3A_427 = vector.broadcast %max3A_426 : f32 to vector<128x1792xf32>
    %max3A_428 = arith.maximumf %sub3A_425, %max3A_427 : vector<128x1792xf32>
    %div3A_429 = arith.divf %mul3A_420, %max3A_428 : vector<128x1792xf32>
    %gt3A_430 = arith.constant 0.699999988 : f32
    %gt3A_431 = vector.broadcast %gt3A_430 : f32 to vector<128x1792xf32>
    %gt3A_432 = arith.cmpf ogt, %div3A_429, %gt3A_431 : vector<128x1792xf32>
    %convert_element_type3A_433 = arith.extui %gt3A_432 : vector<128x1792xi1> to vector<128x1792xi32>
    %convert_element_type3A_434 = arith.sitofp %convert_element_type3A_433 : vector<128x1792xi32> to vector<128x1792xf32>
    %slice3A_435 = vector.extract_strided_slice %convert_element_type3A_434 {offsets = [0, 0], sizes = [128, 128], strides = [1, 1]} : vector<128x1792xf32> to vector<128x128xf32>
    %swap3A_436 = arith.constant 0 : index
    %swap3A_437 = arith.constant 0 : index
    %swap3A_438 = vector.load %arg7[%swap3A_436, %swap3A_437] : memref<128x128xf32, #tpu.memory_space<vmem>>, vector<128x128xf32>
    tpu.vector_store %arg7[%swap3A_436, %swap3A_437], %slice3A_435 {strides = array<i32>} : memref<128x128xf32, #tpu.memory_space<vmem>>, vector<128x128xf32>,
    %get3A_439 = arith.constant 0 : index
    %get3A_440 = arith.constant 256 : index
    %get3A_441 = vector.load %arg8[%get3A_439, %get3A_440] : memref<1x2048xf32, #tpu.memory_space<vmem>>, vector<1x128xf32>
    %scan3A_442 = arith.constant 0 : i32
    %scan3A_443 = arith.constant 128 : i32
    %scan3A_444 = arith.addi %scan3A_442, %scan3A_443 : i32
    %scan3A_445 = arith.constant 1 : i32
    %scan3A_446 = scf.for %scan3A_1489 = %scan3A_442 to %scan3A_444 step %scan3A_445 iter_args(%scan3A_1490 = %get3A_441) -> (vector<1x128xf32>)  : i32 {
      %eq3A_1491 = vector.broadcast %scan3A_1489 : i32 to vector<1x128xi32>
      %eq3A_1492 = arith.cmpi eq, %iota3A, %eq3A_1491 : vector<1x128xi32>
      %convert_element_type3A_1493 = arith.extui %eq3A_1492 : vector<1x128xi1> to vector<1x128xi32>
      %convert_element_type3A_1494 = arith.sitofp %convert_element_type3A_1493 : vector<1x128xi32> to vector<1x128xf32>
      %mul3A_1495 = arith.mulf %scan3A_1490, %convert_element_type3A_1494 : vector<1x128xf32>
      %reduce_sum3A = vector.shape_cast %mul3A_1495 : vector<1x128xf32> to vector<1x1x128xf32>
      %reduce_sum3A_1496 = arith.constant dense<0.000000e+00> : vector<1xf32>
      %reduce_sum3A_1497 = vector.multi_reduction <add>, %reduce_sum3A, %reduce_sum3A_1496 [1, 2] : vector<1x1x128xf32> to vector<1xf32>
      %reduce_sum3A_1498 = vector.shape_cast %reduce_sum3A_1497 : vector<1xf32> to vector<1x1x1xf32>
      %reduce_sum3A_1499 = vector.extract %reduce_sum3A_1498[0, 0, 0] : f32 from vector<1x1x1xf32>
      %sub3A_1500 = arith.constant 1.000000e+00 : f32
      %sub3A_1501 = arith.subf %sub3A_1500, %reduce_sum3A_1499 : f32
      %get3A_1502 = arith.index_cast %scan3A_1489 : i32 to index
      %get3A_1503 = arith.constant 0 : index
      %get3A_1504 = vector.load %arg7[%get3A_1502, %get3A_1503] : memref<128x128xf32, #tpu.memory_space<vmem>>, vector<1x128xf32>
      %mul3A_1505 = vector.broadcast %sub3A_1501 : f32 to vector<1x128xf32>
      %mul3A_1506 = arith.mulf %mul3A_1505, %get3A_1504 : vector<1x128xf32>
      %gt3A_1507 = vector.broadcast %scan3A_1489 : i32 to vector<1x128xi32>
      %gt3A_1508 = arith.cmpi sgt, %iota3A, %gt3A_1507 : vector<1x128xi32>
      %convert_element_type3A_1509 = arith.extui %gt3A_1508 : vector<1x128xi1> to vector<1x128xi32>
      %convert_element_type3A_1510 = arith.sitofp %convert_element_type3A_1509 : vector<1x128xi32> to vector<1x128xf32>
      %mul3A_1511 = arith.mulf %mul3A_1506, %convert_element_type3A_1510 : vector<1x128xf32>
      %max3A_1512 = arith.maximumf %scan3A_1490, %mul3A_1511 : vector<1x128xf32>
      scf.yield %max3A_1512 : vector<1x128xf32>
    }
    %scan3A_447 = arith.constant 128 : i32
    %swap3A_448 = arith.constant 0 : index
    %swap3A_449 = arith.constant 256 : index
    %swap3A_450 = vector.load %arg8[%swap3A_448, %swap3A_449] : memref<1x2048xf32, #tpu.memory_space<vmem>>, vector<1x128xf32>
    tpu.vector_store %arg8[%swap3A_448, %swap3A_449], %scan3A_446 {strides = array<i32>} : memref<1x2048xf32, #tpu.memory_space<vmem>>, vector<1x128xf32>,
    %sub3A_451 = arith.constant 1.000000e+00 : f32
    %sub3A_452 = vector.broadcast %sub3A_451 : f32 to vector<1x128xf32>
    %sub3A_453 = arith.subf %sub3A_452, %scan3A_446 : vector<1x128xf32>
    %slice3A_454 = vector.extract_strided_slice %convert_element_type3A_434 {offsets = [0, 128], sizes = [128, 1664], strides = [1, 1]} : vector<128x1792xf32> to vector<128x1664xf32>
    %dot_general3A_455 = arith.constant dense<0.000000e+00> : vector<1x1664xf32>
    %dot_general3A_456 = tpu.matmul %sub3A_453, %slice3A_454, %dot_general3A_455 {dimension_numbers = #tpu.dot_dimension_numbers<[1], [0], [0], [1], [0, 0, 1, 1], [], []>, transpose_lhs_hint = false} : vector<1x128xf32>, vector<128x1664xf32>, vector<1x1664xf32> -> vector<1x1664xf32>
    %get3A_457 = arith.constant 0 : index
    %get3A_458 = arith.constant 384 : index
    %get3A_459 = vector.load %arg8[%get3A_457, %get3A_458] : memref<1x2048xf32, #tpu.memory_space<vmem>>, vector<1x1664xf32>
    %gt3A_460 = arith.constant 5.000000e-01 : f32
    %gt3A_461 = vector.broadcast %gt3A_460 : f32 to vector<1x1664xf32>
    %gt3A_462 = arith.cmpf ogt, %dot_general3A_456, %gt3A_461 : vector<1x1664xf32>
    %convert_element_type3A_463 = arith.extui %gt3A_462 : vector<1x1664xi1> to vector<1x1664xi32>
    %convert_element_type3A_464 = arith.sitofp %convert_element_type3A_463 : vector<1x1664xi32> to vector<1x1664xf32>
    %max3A_465 = arith.maximumf %get3A_459, %convert_element_type3A_464 : vector<1x1664xf32>
    %swap3A_466 = arith.constant 0 : index
    %swap3A_467 = arith.constant 384 : index
    %swap3A_468 = vector.load %arg8[%swap3A_466, %swap3A_467] : memref<1x2048xf32, #tpu.memory_space<vmem>>, vector<1x1664xf32>
    tpu.vector_store %arg8[%swap3A_466, %swap3A_467], %max3A_465 {strides = array<i32>} : memref<1x2048xf32, #tpu.memory_space<vmem>>, vector<1x1664xf32>,
    %slice3A_469 = vector.extract_strided_slice %min3A_215 {offsets = [384, 0], sizes = [128, 1], strides = [1, 1]} : vector<2048x1xf32> to vector<128x1xf32>
    %slice3A_470 = vector.extract_strided_slice %min3A_220 {offsets = [384, 0], sizes = [128, 1], strides = [1, 1]} : vector<2048x1xf32> to vector<128x1xf32>
    %slice3A_471 = vector.extract_strided_slice %min3A_225 {offsets = [384, 0], sizes = [128, 1], strides = [1, 1]} : vector<2048x1xf32> to vector<128x1xf32>
    %slice3A_472 = vector.extract_strided_slice %min3A_230 {offsets = [384, 0], sizes = [128, 1], strides = [1, 1]} : vector<2048x1xf32> to vector<128x1xf32>
    %slice3A_473 = vector.extract_strided_slice %mul3A_239 {offsets = [384, 0], sizes = [128, 1], strides = [1, 1]} : vector<2048x1xf32> to vector<128x1xf32>
    %slice3A_474 = vector.extract_strided_slice %min3A_94 {offsets = [0, 384], sizes = [1, 1664], strides = [1, 1]} : vector<1x2048xf32> to vector<1x1664xf32>
    %max3A_475 = vector.broadcast %slice3A_469 : vector<128x1xf32> to vector<128x1664xf32>
    %max3A_476 = vector.broadcast %slice3A_474 : vector<1x1664xf32> to vector<128x1664xf32>
    %max3A_477 = arith.maximumf %max3A_475, %max3A_476 : vector<128x1664xf32>
    %slice3A_478 = vector.extract_strided_slice %min3A_99 {offsets = [0, 384], sizes = [1, 1664], strides = [1, 1]} : vector<1x2048xf32> to vector<1x1664xf32>
    %max3A_479 = vector.broadcast %slice3A_470 : vector<128x1xf32> to vector<128x1664xf32>
    %max3A_480 = vector.broadcast %slice3A_478 : vector<1x1664xf32> to vector<128x1664xf32>
    %max3A_481 = arith.maximumf %max3A_479, %max3A_480 : vector<128x1664xf32>
    %slice3A_482 = vector.extract_strided_slice %min3A_104 {offsets = [0, 384], sizes = [1, 1664], strides = [1, 1]} : vector<1x2048xf32> to vector<1x1664xf32>
    %min3A_483 = vector.broadcast %slice3A_471 : vector<128x1xf32> to vector<128x1664xf32>
    %min3A_484 = vector.broadcast %slice3A_482 : vector<1x1664xf32> to vector<128x1664xf32>
    %min3A_485 = arith.minimumf %min3A_483, %min3A_484 : vector<128x1664xf32>
    %slice3A_486 = vector.extract_strided_slice %min3A_109 {offsets = [0, 384], sizes = [1, 1664], strides = [1, 1]} : vector<1x2048xf32> to vector<1x1664xf32>
    %min3A_487 = vector.broadcast %slice3A_472 : vector<128x1xf32> to vector<128x1664xf32>
    %min3A_488 = vector.broadcast %slice3A_486 : vector<1x1664xf32> to vector<128x1664xf32>
    %min3A_489 = arith.minimumf %min3A_487, %min3A_488 : vector<128x1664xf32>
    %sub3A_490 = arith.subf %min3A_485, %max3A_477 : vector<128x1664xf32>
    %max3A_491 = arith.constant 0.000000e+00 : f32
    %max3A_492 = vector.broadcast %max3A_491 : f32 to vector<128x1664xf32>
    %max3A_493 = arith.maximumf %sub3A_490, %max3A_492 : vector<128x1664xf32>
    %sub3A_494 = arith.subf %min3A_489, %max3A_481 : vector<128x1664xf32>
    %max3A_495 = arith.constant 0.000000e+00 : f32
    %max3A_496 = vector.broadcast %max3A_495 : f32 to vector<128x1664xf32>
    %max3A_497 = arith.maximumf %sub3A_494, %max3A_496 : vector<128x1664xf32>
    %mul3A_498 = arith.mulf %max3A_493, %max3A_497 : vector<128x1664xf32>
    %slice3A_499 = vector.extract_strided_slice %mul3A_118 {offsets = [0, 384], sizes = [1, 1664], strides = [1, 1]} : vector<1x2048xf32> to vector<1x1664xf32>
    %add3A_500 = vector.broadcast %slice3A_473 : vector<128x1xf32> to vector<128x1664xf32>
    %add3A_501 = vector.broadcast %slice3A_499 : vector<1x1664xf32> to vector<128x1664xf32>
    %add3A_502 = arith.addf %add3A_500, %add3A_501 : vector<128x1664xf32>
    %sub3A_503 = arith.subf %add3A_502, %mul3A_498 : vector<128x1664xf32>
    %max3A_504 = arith.constant 9.99999971E-10 : f32
    %max3A_505 = vector.broadcast %max3A_504 : f32 to vector<128x1664xf32>
    %max3A_506 = arith.maximumf %sub3A_503, %max3A_505 : vector<128x1664xf32>
    %div3A_507 = arith.divf %mul3A_498, %max3A_506 : vector<128x1664xf32>
    %gt3A_508 = arith.constant 0.699999988 : f32
    %gt3A_509 = vector.broadcast %gt3A_508 : f32 to vector<128x1664xf32>
    %gt3A_510 = arith.cmpf ogt, %div3A_507, %gt3A_509 : vector<128x1664xf32>
    %convert_element_type3A_511 = arith.extui %gt3A_510 : vector<128x1664xi1> to vector<128x1664xi32>
    %convert_element_type3A_512 = arith.sitofp %convert_element_type3A_511 : vector<128x1664xi32> to vector<128x1664xf32>
    %slice3A_513 = vector.extract_strided_slice %convert_element_type3A_512 {offsets = [0, 0], sizes = [128, 128], strides = [1, 1]} : vector<128x1664xf32> to vector<128x128xf32>
    %swap3A_514 = arith.constant 0 : index
    %swap3A_515 = arith.constant 0 : index
    %swap3A_516 = vector.load %arg7[%swap3A_514, %swap3A_515] : memref<128x128xf32, #tpu.memory_space<vmem>>, vector<128x128xf32>
    tpu.vector_store %arg7[%swap3A_514, %swap3A_515], %slice3A_513 {strides = array<i32>} : memref<128x128xf32, #tpu.memory_space<vmem>>, vector<128x128xf32>,
    %get3A_517 = arith.constant 0 : index
    %get3A_518 = arith.constant 384 : index
    %get3A_519 = vector.load %arg8[%get3A_517, %get3A_518] : memref<1x2048xf32, #tpu.memory_space<vmem>>, vector<1x128xf32>
    %scan3A_520 = arith.constant 0 : i32
    %scan3A_521 = arith.constant 128 : i32
    %scan3A_522 = arith.addi %scan3A_520, %scan3A_521 : i32
    %scan3A_523 = arith.constant 1 : i32
    %scan3A_524 = scf.for %scan3A_1489 = %scan3A_520 to %scan3A_522 step %scan3A_523 iter_args(%scan3A_1490 = %get3A_519) -> (vector<1x128xf32>)  : i32 {
      %eq3A_1491 = vector.broadcast %scan3A_1489 : i32 to vector<1x128xi32>
      %eq3A_1492 = arith.cmpi eq, %iota3A, %eq3A_1491 : vector<1x128xi32>
      %convert_element_type3A_1493 = arith.extui %eq3A_1492 : vector<1x128xi1> to vector<1x128xi32>
      %convert_element_type3A_1494 = arith.sitofp %convert_element_type3A_1493 : vector<1x128xi32> to vector<1x128xf32>
      %mul3A_1495 = arith.mulf %scan3A_1490, %convert_element_type3A_1494 : vector<1x128xf32>
      %reduce_sum3A = vector.shape_cast %mul3A_1495 : vector<1x128xf32> to vector<1x1x128xf32>
      %reduce_sum3A_1496 = arith.constant dense<0.000000e+00> : vector<1xf32>
      %reduce_sum3A_1497 = vector.multi_reduction <add>, %reduce_sum3A, %reduce_sum3A_1496 [1, 2] : vector<1x1x128xf32> to vector<1xf32>
      %reduce_sum3A_1498 = vector.shape_cast %reduce_sum3A_1497 : vector<1xf32> to vector<1x1x1xf32>
      %reduce_sum3A_1499 = vector.extract %reduce_sum3A_1498[0, 0, 0] : f32 from vector<1x1x1xf32>
      %sub3A_1500 = arith.constant 1.000000e+00 : f32
      %sub3A_1501 = arith.subf %sub3A_1500, %reduce_sum3A_1499 : f32
      %get3A_1502 = arith.index_cast %scan3A_1489 : i32 to index
      %get3A_1503 = arith.constant 0 : index
      %get3A_1504 = vector.load %arg7[%get3A_1502, %get3A_1503] : memref<128x128xf32, #tpu.memory_space<vmem>>, vector<1x128xf32>
      %mul3A_1505 = vector.broadcast %sub3A_1501 : f32 to vector<1x128xf32>
      %mul3A_1506 = arith.mulf %mul3A_1505, %get3A_1504 : vector<1x128xf32>
      %gt3A_1507 = vector.broadcast %scan3A_1489 : i32 to vector<1x128xi32>
      %gt3A_1508 = arith.cmpi sgt, %iota3A, %gt3A_1507 : vector<1x128xi32>
      %convert_element_type3A_1509 = arith.extui %gt3A_1508 : vector<1x128xi1> to vector<1x128xi32>
      %convert_element_type3A_1510 = arith.sitofp %convert_element_type3A_1509 : vector<1x128xi32> to vector<1x128xf32>
      %mul3A_1511 = arith.mulf %mul3A_1506, %convert_element_type3A_1510 : vector<1x128xf32>
      %max3A_1512 = arith.maximumf %scan3A_1490, %mul3A_1511 : vector<1x128xf32>
      scf.yield %max3A_1512 : vector<1x128xf32>
    }
    %scan3A_525 = arith.constant 128 : i32
    %swap3A_526 = arith.constant 0 : index
    %swap3A_527 = arith.constant 384 : index
    %swap3A_528 = vector.load %arg8[%swap3A_526, %swap3A_527] : memref<1x2048xf32, #tpu.memory_space<vmem>>, vector<1x128xf32>
    tpu.vector_store %arg8[%swap3A_526, %swap3A_527], %scan3A_524 {strides = array<i32>} : memref<1x2048xf32, #tpu.memory_space<vmem>>, vector<1x128xf32>,
    %sub3A_529 = arith.constant 1.000000e+00 : f32
    %sub3A_530 = vector.broadcast %sub3A_529 : f32 to vector<1x128xf32>
    %sub3A_531 = arith.subf %sub3A_530, %scan3A_524 : vector<1x128xf32>
    %slice3A_532 = vector.extract_strided_slice %convert_element_type3A_512 {offsets = [0, 128], sizes = [128, 1536], strides = [1, 1]} : vector<128x1664xf32> to vector<128x1536xf32>
    %dot_general3A_533 = arith.constant dense<0.000000e+00> : vector<1x1536xf32>
    %dot_general3A_534 = tpu.matmul %sub3A_531, %slice3A_532, %dot_general3A_533 {dimension_numbers = #tpu.dot_dimension_numbers<[1], [0], [0], [1], [0, 0, 1, 1], [], []>, transpose_lhs_hint = false} : vector<1x128xf32>, vector<128x1536xf32>, vector<1x1536xf32> -> vector<1x1536xf32>
    %get3A_535 = arith.constant 0 : index
    %get3A_536 = arith.constant 512 : index
    %get3A_537 = vector.load %arg8[%get3A_535, %get3A_536] : memref<1x2048xf32, #tpu.memory_space<vmem>>, vector<1x1536xf32>
    %gt3A_538 = arith.constant 5.000000e-01 : f32
    %gt3A_539 = vector.broadcast %gt3A_538 : f32 to vector<1x1536xf32>
    %gt3A_540 = arith.cmpf ogt, %dot_general3A_534, %gt3A_539 : vector<1x1536xf32>
    %convert_element_type3A_541 = arith.extui %gt3A_540 : vector<1x1536xi1> to vector<1x1536xi32>
    %convert_element_type3A_542 = arith.sitofp %convert_element_type3A_541 : vector<1x1536xi32> to vector<1x1536xf32>
    %max3A_543 = arith.maximumf %get3A_537, %convert_element_type3A_542 : vector<1x1536xf32>
    %swap3A_544 = arith.constant 0 : index
    %swap3A_545 = arith.constant 512 : index
    %swap3A_546 = vector.load %arg8[%swap3A_544, %swap3A_545] : memref<1x2048xf32, #tpu.memory_space<vmem>>, vector<1x1536xf32>
    tpu.vector_store %arg8[%swap3A_544, %swap3A_545], %max3A_543 {strides = array<i32>} : memref<1x2048xf32, #tpu.memory_space<vmem>>, vector<1x1536xf32>,
    %slice3A_547 = vector.extract_strided_slice %min3A_215 {offsets = [512, 0], sizes = [128, 1], strides = [1, 1]} : vector<2048x1xf32> to vector<128x1xf32>
    %slice3A_548 = vector.extract_strided_slice %min3A_220 {offsets = [512, 0], sizes = [128, 1], strides = [1, 1]} : vector<2048x1xf32> to vector<128x1xf32>
    %slice3A_549 = vector.extract_strided_slice %min3A_225 {offsets = [512, 0], sizes = [128, 1], strides = [1, 1]} : vector<2048x1xf32> to vector<128x1xf32>
    %slice3A_550 = vector.extract_strided_slice %min3A_230 {offsets = [512, 0], sizes = [128, 1], strides = [1, 1]} : vector<2048x1xf32> to vector<128x1xf32>
    %slice3A_551 = vector.extract_strided_slice %mul3A_239 {offsets = [512, 0], sizes = [128, 1], strides = [1, 1]} : vector<2048x1xf32> to vector<128x1xf32>
    %slice3A_552 = vector.extract_strided_slice %min3A_94 {offsets = [0, 512], sizes = [1, 1536], strides = [1, 1]} : vector<1x2048xf32> to vector<1x1536xf32>
    %max3A_553 = vector.broadcast %slice3A_547 : vector<128x1xf32> to vector<128x1536xf32>
    %max3A_554 = vector.broadcast %slice3A_552 : vector<1x1536xf32> to vector<128x1536xf32>
    %max3A_555 = arith.maximumf %max3A_553, %max3A_554 : vector<128x1536xf32>
    %slice3A_556 = vector.extract_strided_slice %min3A_99 {offsets = [0, 512], sizes = [1, 1536], strides = [1, 1]} : vector<1x2048xf32> to vector<1x1536xf32>
    %max3A_557 = vector.broadcast %slice3A_548 : vector<128x1xf32> to vector<128x1536xf32>
    %max3A_558 = vector.broadcast %slice3A_556 : vector<1x1536xf32> to vector<128x1536xf32>
    %max3A_559 = arith.maximumf %max3A_557, %max3A_558 : vector<128x1536xf32>
    %slice3A_560 = vector.extract_strided_slice %min3A_104 {offsets = [0, 512], sizes = [1, 1536], strides = [1, 1]} : vector<1x2048xf32> to vector<1x1536xf32>
    %min3A_561 = vector.broadcast %slice3A_549 : vector<128x1xf32> to vector<128x1536xf32>
    %min3A_562 = vector.broadcast %slice3A_560 : vector<1x1536xf32> to vector<128x1536xf32>
    %min3A_563 = arith.minimumf %min3A_561, %min3A_562 : vector<128x1536xf32>
    %slice3A_564 = vector.extract_strided_slice %min3A_109 {offsets = [0, 512], sizes = [1, 1536], strides = [1, 1]} : vector<1x2048xf32> to vector<1x1536xf32>
    %min3A_565 = vector.broadcast %slice3A_550 : vector<128x1xf32> to vector<128x1536xf32>
    %min3A_566 = vector.broadcast %slice3A_564 : vector<1x1536xf32> to vector<128x1536xf32>
    %min3A_567 = arith.minimumf %min3A_565, %min3A_566 : vector<128x1536xf32>
    %sub3A_568 = arith.subf %min3A_563, %max3A_555 : vector<128x1536xf32>
    %max3A_569 = arith.constant 0.000000e+00 : f32
    %max3A_570 = vector.broadcast %max3A_569 : f32 to vector<128x1536xf32>
    %max3A_571 = arith.maximumf %sub3A_568, %max3A_570 : vector<128x1536xf32>
    %sub3A_572 = arith.subf %min3A_567, %max3A_559 : vector<128x1536xf32>
    %max3A_573 = arith.constant 0.000000e+00 : f32
    %max3A_574 = vector.broadcast %max3A_573 : f32 to vector<128x1536xf32>
    %max3A_575 = arith.maximumf %sub3A_572, %max3A_574 : vector<128x1536xf32>
    %mul3A_576 = arith.mulf %max3A_571, %max3A_575 : vector<128x1536xf32>
    %slice3A_577 = vector.extract_strided_slice %mul3A_118 {offsets = [0, 512], sizes = [1, 1536], strides = [1, 1]} : vector<1x2048xf32> to vector<1x1536xf32>
    %add3A_578 = vector.broadcast %slice3A_551 : vector<128x1xf32> to vector<128x1536xf32>
    %add3A_579 = vector.broadcast %slice3A_577 : vector<1x1536xf32> to vector<128x1536xf32>
    %add3A_580 = arith.addf %add3A_578, %add3A_579 : vector<128x1536xf32>
    %sub3A_581 = arith.subf %add3A_580, %mul3A_576 : vector<128x1536xf32>
    %max3A_582 = arith.constant 9.99999971E-10 : f32
    %max3A_583 = vector.broadcast %max3A_582 : f32 to vector<128x1536xf32>
    %max3A_584 = arith.maximumf %sub3A_581, %max3A_583 : vector<128x1536xf32>
    %div3A_585 = arith.divf %mul3A_576, %max3A_584 : vector<128x1536xf32>
    %gt3A_586 = arith.constant 0.699999988 : f32
    %gt3A_587 = vector.broadcast %gt3A_586 : f32 to vector<128x1536xf32>
    %gt3A_588 = arith.cmpf ogt, %div3A_585, %gt3A_587 : vector<128x1536xf32>
    %convert_element_type3A_589 = arith.extui %gt3A_588 : vector<128x1536xi1> to vector<128x1536xi32>
    %convert_element_type3A_590 = arith.sitofp %convert_element_type3A_589 : vector<128x1536xi32> to vector<128x1536xf32>
    %slice3A_591 = vector.extract_strided_slice %convert_element_type3A_590 {offsets = [0, 0], sizes = [128, 128], strides = [1, 1]} : vector<128x1536xf32> to vector<128x128xf32>
    %swap3A_592 = arith.constant 0 : index
    %swap3A_593 = arith.constant 0 : index
    %swap3A_594 = vector.load %arg7[%swap3A_592, %swap3A_593] : memref<128x128xf32, #tpu.memory_space<vmem>>, vector<128x128xf32>
    tpu.vector_store %arg7[%swap3A_592, %swap3A_593], %slice3A_591 {strides = array<i32>} : memref<128x128xf32, #tpu.memory_space<vmem>>, vector<128x128xf32>,
    %get3A_595 = arith.constant 0 : index
    %get3A_596 = arith.constant 512 : index
    %get3A_597 = vector.load %arg8[%get3A_595, %get3A_596] : memref<1x2048xf32, #tpu.memory_space<vmem>>, vector<1x128xf32>
    %scan3A_598 = arith.constant 0 : i32
    %scan3A_599 = arith.constant 128 : i32
    %scan3A_600 = arith.addi %scan3A_598, %scan3A_599 : i32
    %scan3A_601 = arith.constant 1 : i32
    %scan3A_602 = scf.for %scan3A_1489 = %scan3A_598 to %scan3A_600 step %scan3A_601 iter_args(%scan3A_1490 = %get3A_597) -> (vector<1x128xf32>)  : i32 {
      %eq3A_1491 = vector.broadcast %scan3A_1489 : i32 to vector<1x128xi32>
      %eq3A_1492 = arith.cmpi eq, %iota3A, %eq3A_1491 : vector<1x128xi32>
      %convert_element_type3A_1493 = arith.extui %eq3A_1492 : vector<1x128xi1> to vector<1x128xi32>
      %convert_element_type3A_1494 = arith.sitofp %convert_element_type3A_1493 : vector<1x128xi32> to vector<1x128xf32>
      %mul3A_1495 = arith.mulf %scan3A_1490, %convert_element_type3A_1494 : vector<1x128xf32>
      %reduce_sum3A = vector.shape_cast %mul3A_1495 : vector<1x128xf32> to vector<1x1x128xf32>
      %reduce_sum3A_1496 = arith.constant dense<0.000000e+00> : vector<1xf32>
      %reduce_sum3A_1497 = vector.multi_reduction <add>, %reduce_sum3A, %reduce_sum3A_1496 [1, 2] : vector<1x1x128xf32> to vector<1xf32>
      %reduce_sum3A_1498 = vector.shape_cast %reduce_sum3A_1497 : vector<1xf32> to vector<1x1x1xf32>
      %reduce_sum3A_1499 = vector.extract %reduce_sum3A_1498[0, 0, 0] : f32 from vector<1x1x1xf32>
      %sub3A_1500 = arith.constant 1.000000e+00 : f32
      %sub3A_1501 = arith.subf %sub3A_1500, %reduce_sum3A_1499 : f32
      %get3A_1502 = arith.index_cast %scan3A_1489 : i32 to index
      %get3A_1503 = arith.constant 0 : index
      %get3A_1504 = vector.load %arg7[%get3A_1502, %get3A_1503] : memref<128x128xf32, #tpu.memory_space<vmem>>, vector<1x128xf32>
      %mul3A_1505 = vector.broadcast %sub3A_1501 : f32 to vector<1x128xf32>
      %mul3A_1506 = arith.mulf %mul3A_1505, %get3A_1504 : vector<1x128xf32>
      %gt3A_1507 = vector.broadcast %scan3A_1489 : i32 to vector<1x128xi32>
      %gt3A_1508 = arith.cmpi sgt, %iota3A, %gt3A_1507 : vector<1x128xi32>
      %convert_element_type3A_1509 = arith.extui %gt3A_1508 : vector<1x128xi1> to vector<1x128xi32>
      %convert_element_type3A_1510 = arith.sitofp %convert_element_type3A_1509 : vector<1x128xi32> to vector<1x128xf32>
      %mul3A_1511 = arith.mulf %mul3A_1506, %convert_element_type3A_1510 : vector<1x128xf32>
      %max3A_1512 = arith.maximumf %scan3A_1490, %mul3A_1511 : vector<1x128xf32>
      scf.yield %max3A_1512 : vector<1x128xf32>
    }
    %scan3A_603 = arith.constant 128 : i32
    %swap3A_604 = arith.constant 0 : index
    %swap3A_605 = arith.constant 512 : index
    %swap3A_606 = vector.load %arg8[%swap3A_604, %swap3A_605] : memref<1x2048xf32, #tpu.memory_space<vmem>>, vector<1x128xf32>
    tpu.vector_store %arg8[%swap3A_604, %swap3A_605], %scan3A_602 {strides = array<i32>} : memref<1x2048xf32, #tpu.memory_space<vmem>>, vector<1x128xf32>,
    %sub3A_607 = arith.constant 1.000000e+00 : f32
    %sub3A_608 = vector.broadcast %sub3A_607 : f32 to vector<1x128xf32>
    %sub3A_609 = arith.subf %sub3A_608, %scan3A_602 : vector<1x128xf32>
    %slice3A_610 = vector.extract_strided_slice %convert_element_type3A_590 {offsets = [0, 128], sizes = [128, 1408], strides = [1, 1]} : vector<128x1536xf32> to vector<128x1408xf32>
    %dot_general3A_611 = arith.constant dense<0.000000e+00> : vector<1x1408xf32>
    %dot_general3A_612 = tpu.matmul %sub3A_609, %slice3A_610, %dot_general3A_611 {dimension_numbers = #tpu.dot_dimension_numbers<[1], [0], [0], [1], [0, 0, 1, 1], [], []>, transpose_lhs_hint = false} : vector<1x128xf32>, vector<128x1408xf32>, vector<1x1408xf32> -> vector<1x1408xf32>
    %get3A_613 = arith.constant 0 : index
    %get3A_614 = arith.constant 640 : index
    %get3A_615 = vector.load %arg8[%get3A_613, %get3A_614] : memref<1x2048xf32, #tpu.memory_space<vmem>>, vector<1x1408xf32>
    %gt3A_616 = arith.constant 5.000000e-01 : f32
    %gt3A_617 = vector.broadcast %gt3A_616 : f32 to vector<1x1408xf32>
    %gt3A_618 = arith.cmpf ogt, %dot_general3A_612, %gt3A_617 : vector<1x1408xf32>
    %convert_element_type3A_619 = arith.extui %gt3A_618 : vector<1x1408xi1> to vector<1x1408xi32>
    %convert_element_type3A_620 = arith.sitofp %convert_element_type3A_619 : vector<1x1408xi32> to vector<1x1408xf32>
    %max3A_621 = arith.maximumf %get3A_615, %convert_element_type3A_620 : vector<1x1408xf32>
    %swap3A_622 = arith.constant 0 : index
    %swap3A_623 = arith.constant 640 : index
    %swap3A_624 = vector.load %arg8[%swap3A_622, %swap3A_623] : memref<1x2048xf32, #tpu.memory_space<vmem>>, vector<1x1408xf32>
    tpu.vector_store %arg8[%swap3A_622, %swap3A_623], %max3A_621 {strides = array<i32>} : memref<1x2048xf32, #tpu.memory_space<vmem>>, vector<1x1408xf32>,
    %slice3A_625 = vector.extract_strided_slice %min3A_215 {offsets = [640, 0], sizes = [128, 1], strides = [1, 1]} : vector<2048x1xf32> to vector<128x1xf32>
    %slice3A_626 = vector.extract_strided_slice %min3A_220 {offsets = [640, 0], sizes = [128, 1], strides = [1, 1]} : vector<2048x1xf32> to vector<128x1xf32>
    %slice3A_627 = vector.extract_strided_slice %min3A_225 {offsets = [640, 0], sizes = [128, 1], strides = [1, 1]} : vector<2048x1xf32> to vector<128x1xf32>
    %slice3A_628 = vector.extract_strided_slice %min3A_230 {offsets = [640, 0], sizes = [128, 1], strides = [1, 1]} : vector<2048x1xf32> to vector<128x1xf32>
    %slice3A_629 = vector.extract_strided_slice %mul3A_239 {offsets = [640, 0], sizes = [128, 1], strides = [1, 1]} : vector<2048x1xf32> to vector<128x1xf32>
    %slice3A_630 = vector.extract_strided_slice %min3A_94 {offsets = [0, 640], sizes = [1, 1408], strides = [1, 1]} : vector<1x2048xf32> to vector<1x1408xf32>
    %max3A_631 = vector.broadcast %slice3A_625 : vector<128x1xf32> to vector<128x1408xf32>
    %max3A_632 = vector.broadcast %slice3A_630 : vector<1x1408xf32> to vector<128x1408xf32>
    %max3A_633 = arith.maximumf %max3A_631, %max3A_632 : vector<128x1408xf32>
    %slice3A_634 = vector.extract_strided_slice %min3A_99 {offsets = [0, 640], sizes = [1, 1408], strides = [1, 1]} : vector<1x2048xf32> to vector<1x1408xf32>
    %max3A_635 = vector.broadcast %slice3A_626 : vector<128x1xf32> to vector<128x1408xf32>
    %max3A_636 = vector.broadcast %slice3A_634 : vector<1x1408xf32> to vector<128x1408xf32>
    %max3A_637 = arith.maximumf %max3A_635, %max3A_636 : vector<128x1408xf32>
    %slice3A_638 = vector.extract_strided_slice %min3A_104 {offsets = [0, 640], sizes = [1, 1408], strides = [1, 1]} : vector<1x2048xf32> to vector<1x1408xf32>
    %min3A_639 = vector.broadcast %slice3A_627 : vector<128x1xf32> to vector<128x1408xf32>
    %min3A_640 = vector.broadcast %slice3A_638 : vector<1x1408xf32> to vector<128x1408xf32>
    %min3A_641 = arith.minimumf %min3A_639, %min3A_640 : vector<128x1408xf32>
    %slice3A_642 = vector.extract_strided_slice %min3A_109 {offsets = [0, 640], sizes = [1, 1408], strides = [1, 1]} : vector<1x2048xf32> to vector<1x1408xf32>
    %min3A_643 = vector.broadcast %slice3A_628 : vector<128x1xf32> to vector<128x1408xf32>
    %min3A_644 = vector.broadcast %slice3A_642 : vector<1x1408xf32> to vector<128x1408xf32>
    %min3A_645 = arith.minimumf %min3A_643, %min3A_644 : vector<128x1408xf32>
    %sub3A_646 = arith.subf %min3A_641, %max3A_633 : vector<128x1408xf32>
    %max3A_647 = arith.constant 0.000000e+00 : f32
    %max3A_648 = vector.broadcast %max3A_647 : f32 to vector<128x1408xf32>
    %max3A_649 = arith.maximumf %sub3A_646, %max3A_648 : vector<128x1408xf32>
    %sub3A_650 = arith.subf %min3A_645, %max3A_637 : vector<128x1408xf32>
    %max3A_651 = arith.constant 0.000000e+00 : f32
    %max3A_652 = vector.broadcast %max3A_651 : f32 to vector<128x1408xf32>
    %max3A_653 = arith.maximumf %sub3A_650, %max3A_652 : vector<128x1408xf32>
    %mul3A_654 = arith.mulf %max3A_649, %max3A_653 : vector<128x1408xf32>
    %slice3A_655 = vector.extract_strided_slice %mul3A_118 {offsets = [0, 640], sizes = [1, 1408], strides = [1, 1]} : vector<1x2048xf32> to vector<1x1408xf32>
    %add3A_656 = vector.broadcast %slice3A_629 : vector<128x1xf32> to vector<128x1408xf32>
    %add3A_657 = vector.broadcast %slice3A_655 : vector<1x1408xf32> to vector<128x1408xf32>
    %add3A_658 = arith.addf %add3A_656, %add3A_657 : vector<128x1408xf32>
    %sub3A_659 = arith.subf %add3A_658, %mul3A_654 : vector<128x1408xf32>
    %max3A_660 = arith.constant 9.99999971E-10 : f32
    %max3A_661 = vector.broadcast %max3A_660 : f32 to vector<128x1408xf32>
    %max3A_662 = arith.maximumf %sub3A_659, %max3A_661 : vector<128x1408xf32>
    %div3A_663 = arith.divf %mul3A_654, %max3A_662 : vector<128x1408xf32>
    %gt3A_664 = arith.constant 0.699999988 : f32
    %gt3A_665 = vector.broadcast %gt3A_664 : f32 to vector<128x1408xf32>
    %gt3A_666 = arith.cmpf ogt, %div3A_663, %gt3A_665 : vector<128x1408xf32>
    %convert_element_type3A_667 = arith.extui %gt3A_666 : vector<128x1408xi1> to vector<128x1408xi32>
    %convert_element_type3A_668 = arith.sitofp %convert_element_type3A_667 : vector<128x1408xi32> to vector<128x1408xf32>
    %slice3A_669 = vector.extract_strided_slice %convert_element_type3A_668 {offsets = [0, 0], sizes = [128, 128], strides = [1, 1]} : vector<128x1408xf32> to vector<128x128xf32>
    %swap3A_670 = arith.constant 0 : index
    %swap3A_671 = arith.constant 0 : index
    %swap3A_672 = vector.load %arg7[%swap3A_670, %swap3A_671] : memref<128x128xf32, #tpu.memory_space<vmem>>, vector<128x128xf32>
    tpu.vector_store %arg7[%swap3A_670, %swap3A_671], %slice3A_669 {strides = array<i32>} : memref<128x128xf32, #tpu.memory_space<vmem>>, vector<128x128xf32>,
    %get3A_673 = arith.constant 0 : index
    %get3A_674 = arith.constant 640 : index
    %get3A_675 = vector.load %arg8[%get3A_673, %get3A_674] : memref<1x2048xf32, #tpu.memory_space<vmem>>, vector<1x128xf32>
    %scan3A_676 = arith.constant 0 : i32
    %scan3A_677 = arith.constant 128 : i32
    %scan3A_678 = arith.addi %scan3A_676, %scan3A_677 : i32
    %scan3A_679 = arith.constant 1 : i32
    %scan3A_680 = scf.for %scan3A_1489 = %scan3A_676 to %scan3A_678 step %scan3A_679 iter_args(%scan3A_1490 = %get3A_675) -> (vector<1x128xf32>)  : i32 {
      %eq3A_1491 = vector.broadcast %scan3A_1489 : i32 to vector<1x128xi32>
      %eq3A_1492 = arith.cmpi eq, %iota3A, %eq3A_1491 : vector<1x128xi32>
      %convert_element_type3A_1493 = arith.extui %eq3A_1492 : vector<1x128xi1> to vector<1x128xi32>
      %convert_element_type3A_1494 = arith.sitofp %convert_element_type3A_1493 : vector<1x128xi32> to vector<1x128xf32>
      %mul3A_1495 = arith.mulf %scan3A_1490, %convert_element_type3A_1494 : vector<1x128xf32>
      %reduce_sum3A = vector.shape_cast %mul3A_1495 : vector<1x128xf32> to vector<1x1x128xf32>
      %reduce_sum3A_1496 = arith.constant dense<0.000000e+00> : vector<1xf32>
      %reduce_sum3A_1497 = vector.multi_reduction <add>, %reduce_sum3A, %reduce_sum3A_1496 [1, 2] : vector<1x1x128xf32> to vector<1xf32>
      %reduce_sum3A_1498 = vector.shape_cast %reduce_sum3A_1497 : vector<1xf32> to vector<1x1x1xf32>
      %reduce_sum3A_1499 = vector.extract %reduce_sum3A_1498[0, 0, 0] : f32 from vector<1x1x1xf32>
      %sub3A_1500 = arith.constant 1.000000e+00 : f32
      %sub3A_1501 = arith.subf %sub3A_1500, %reduce_sum3A_1499 : f32
      %get3A_1502 = arith.index_cast %scan3A_1489 : i32 to index
      %get3A_1503 = arith.constant 0 : index
      %get3A_1504 = vector.load %arg7[%get3A_1502, %get3A_1503] : memref<128x128xf32, #tpu.memory_space<vmem>>, vector<1x128xf32>
      %mul3A_1505 = vector.broadcast %sub3A_1501 : f32 to vector<1x128xf32>
      %mul3A_1506 = arith.mulf %mul3A_1505, %get3A_1504 : vector<1x128xf32>
      %gt3A_1507 = vector.broadcast %scan3A_1489 : i32 to vector<1x128xi32>
      %gt3A_1508 = arith.cmpi sgt, %iota3A, %gt3A_1507 : vector<1x128xi32>
      %convert_element_type3A_1509 = arith.extui %gt3A_1508 : vector<1x128xi1> to vector<1x128xi32>
      %convert_element_type3A_1510 = arith.sitofp %convert_element_type3A_1509 : vector<1x128xi32> to vector<1x128xf32>
      %mul3A_1511 = arith.mulf %mul3A_1506, %convert_element_type3A_1510 : vector<1x128xf32>
      %max3A_1512 = arith.maximumf %scan3A_1490, %mul3A_1511 : vector<1x128xf32>
      scf.yield %max3A_1512 : vector<1x128xf32>
    }
    %scan3A_681 = arith.constant 128 : i32
    %swap3A_682 = arith.constant 0 : index
    %swap3A_683 = arith.constant 640 : index
    %swap3A_684 = vector.load %arg8[%swap3A_682, %swap3A_683] : memref<1x2048xf32, #tpu.memory_space<vmem>>, vector<1x128xf32>
    tpu.vector_store %arg8[%swap3A_682, %swap3A_683], %scan3A_680 {strides = array<i32>} : memref<1x2048xf32, #tpu.memory_space<vmem>>, vector<1x128xf32>,
    %sub3A_685 = arith.constant 1.000000e+00 : f32
    %sub3A_686 = vector.broadcast %sub3A_685 : f32 to vector<1x128xf32>
    %sub3A_687 = arith.subf %sub3A_686, %scan3A_680 : vector<1x128xf32>
    %slice3A_688 = vector.extract_strided_slice %convert_element_type3A_668 {offsets = [0, 128], sizes = [128, 1280], strides = [1, 1]} : vector<128x1408xf32> to vector<128x1280xf32>
    %dot_general3A_689 = arith.constant dense<0.000000e+00> : vector<1x1280xf32>
    %dot_general3A_690 = tpu.matmul %sub3A_687, %slice3A_688, %dot_general3A_689 {dimension_numbers = #tpu.dot_dimension_numbers<[1], [0], [0], [1], [0, 0, 1, 1], [], []>, transpose_lhs_hint = false} : vector<1x128xf32>, vector<128x1280xf32>, vector<1x1280xf32> -> vector<1x1280xf32>
    %get3A_691 = arith.constant 0 : index
    %get3A_692 = arith.constant 768 : index
    %get3A_693 = vector.load %arg8[%get3A_691, %get3A_692] : memref<1x2048xf32, #tpu.memory_space<vmem>>, vector<1x1280xf32>
    %gt3A_694 = arith.constant 5.000000e-01 : f32
    %gt3A_695 = vector.broadcast %gt3A_694 : f32 to vector<1x1280xf32>
    %gt3A_696 = arith.cmpf ogt, %dot_general3A_690, %gt3A_695 : vector<1x1280xf32>
    %convert_element_type3A_697 = arith.extui %gt3A_696 : vector<1x1280xi1> to vector<1x1280xi32>
    %convert_element_type3A_698 = arith.sitofp %convert_element_type3A_697 : vector<1x1280xi32> to vector<1x1280xf32>
    %max3A_699 = arith.maximumf %get3A_693, %convert_element_type3A_698 : vector<1x1280xf32>
    %swap3A_700 = arith.constant 0 : index
    %swap3A_701 = arith.constant 768 : index
    %swap3A_702 = vector.load %arg8[%swap3A_700, %swap3A_701] : memref<1x2048xf32, #tpu.memory_space<vmem>>, vector<1x1280xf32>
    tpu.vector_store %arg8[%swap3A_700, %swap3A_701], %max3A_699 {strides = array<i32>} : memref<1x2048xf32, #tpu.memory_space<vmem>>, vector<1x1280xf32>,
    %slice3A_703 = vector.extract_strided_slice %min3A_215 {offsets = [768, 0], sizes = [128, 1], strides = [1, 1]} : vector<2048x1xf32> to vector<128x1xf32>
    %slice3A_704 = vector.extract_strided_slice %min3A_220 {offsets = [768, 0], sizes = [128, 1], strides = [1, 1]} : vector<2048x1xf32> to vector<128x1xf32>
    %slice3A_705 = vector.extract_strided_slice %min3A_225 {offsets = [768, 0], sizes = [128, 1], strides = [1, 1]} : vector<2048x1xf32> to vector<128x1xf32>
    %slice3A_706 = vector.extract_strided_slice %min3A_230 {offsets = [768, 0], sizes = [128, 1], strides = [1, 1]} : vector<2048x1xf32> to vector<128x1xf32>
    %slice3A_707 = vector.extract_strided_slice %mul3A_239 {offsets = [768, 0], sizes = [128, 1], strides = [1, 1]} : vector<2048x1xf32> to vector<128x1xf32>
    %slice3A_708 = vector.extract_strided_slice %min3A_94 {offsets = [0, 768], sizes = [1, 1280], strides = [1, 1]} : vector<1x2048xf32> to vector<1x1280xf32>
    %max3A_709 = vector.broadcast %slice3A_703 : vector<128x1xf32> to vector<128x1280xf32>
    %max3A_710 = vector.broadcast %slice3A_708 : vector<1x1280xf32> to vector<128x1280xf32>
    %max3A_711 = arith.maximumf %max3A_709, %max3A_710 : vector<128x1280xf32>
    %slice3A_712 = vector.extract_strided_slice %min3A_99 {offsets = [0, 768], sizes = [1, 1280], strides = [1, 1]} : vector<1x2048xf32> to vector<1x1280xf32>
    %max3A_713 = vector.broadcast %slice3A_704 : vector<128x1xf32> to vector<128x1280xf32>
    %max3A_714 = vector.broadcast %slice3A_712 : vector<1x1280xf32> to vector<128x1280xf32>
    %max3A_715 = arith.maximumf %max3A_713, %max3A_714 : vector<128x1280xf32>
    %slice3A_716 = vector.extract_strided_slice %min3A_104 {offsets = [0, 768], sizes = [1, 1280], strides = [1, 1]} : vector<1x2048xf32> to vector<1x1280xf32>
    %min3A_717 = vector.broadcast %slice3A_705 : vector<128x1xf32> to vector<128x1280xf32>
    %min3A_718 = vector.broadcast %slice3A_716 : vector<1x1280xf32> to vector<128x1280xf32>
    %min3A_719 = arith.minimumf %min3A_717, %min3A_718 : vector<128x1280xf32>
    %slice3A_720 = vector.extract_strided_slice %min3A_109 {offsets = [0, 768], sizes = [1, 1280], strides = [1, 1]} : vector<1x2048xf32> to vector<1x1280xf32>
    %min3A_721 = vector.broadcast %slice3A_706 : vector<128x1xf32> to vector<128x1280xf32>
    %min3A_722 = vector.broadcast %slice3A_720 : vector<1x1280xf32> to vector<128x1280xf32>
    %min3A_723 = arith.minimumf %min3A_721, %min3A_722 : vector<128x1280xf32>
    %sub3A_724 = arith.subf %min3A_719, %max3A_711 : vector<128x1280xf32>
    %max3A_725 = arith.constant 0.000000e+00 : f32
    %max3A_726 = vector.broadcast %max3A_725 : f32 to vector<128x1280xf32>
    %max3A_727 = arith.maximumf %sub3A_724, %max3A_726 : vector<128x1280xf32>
    %sub3A_728 = arith.subf %min3A_723, %max3A_715 : vector<128x1280xf32>
    %max3A_729 = arith.constant 0.000000e+00 : f32
    %max3A_730 = vector.broadcast %max3A_729 : f32 to vector<128x1280xf32>
    %max3A_731 = arith.maximumf %sub3A_728, %max3A_730 : vector<128x1280xf32>
    %mul3A_732 = arith.mulf %max3A_727, %max3A_731 : vector<128x1280xf32>
    %slice3A_733 = vector.extract_strided_slice %mul3A_118 {offsets = [0, 768], sizes = [1, 1280], strides = [1, 1]} : vector<1x2048xf32> to vector<1x1280xf32>
    %add3A_734 = vector.broadcast %slice3A_707 : vector<128x1xf32> to vector<128x1280xf32>
    %add3A_735 = vector.broadcast %slice3A_733 : vector<1x1280xf32> to vector<128x1280xf32>
    %add3A_736 = arith.addf %add3A_734, %add3A_735 : vector<128x1280xf32>
    %sub3A_737 = arith.subf %add3A_736, %mul3A_732 : vector<128x1280xf32>
    %max3A_738 = arith.constant 9.99999971E-10 : f32
    %max3A_739 = vector.broadcast %max3A_738 : f32 to vector<128x1280xf32>
    %max3A_740 = arith.maximumf %sub3A_737, %max3A_739 : vector<128x1280xf32>
    %div3A_741 = arith.divf %mul3A_732, %max3A_740 : vector<128x1280xf32>
    %gt3A_742 = arith.constant 0.699999988 : f32
    %gt3A_743 = vector.broadcast %gt3A_742 : f32 to vector<128x1280xf32>
    %gt3A_744 = arith.cmpf ogt, %div3A_741, %gt3A_743 : vector<128x1280xf32>
    %convert_element_type3A_745 = arith.extui %gt3A_744 : vector<128x1280xi1> to vector<128x1280xi32>
    %convert_element_type3A_746 = arith.sitofp %convert_element_type3A_745 : vector<128x1280xi32> to vector<128x1280xf32>
    %slice3A_747 = vector.extract_strided_slice %convert_element_type3A_746 {offsets = [0, 0], sizes = [128, 128], strides = [1, 1]} : vector<128x1280xf32> to vector<128x128xf32>
    %swap3A_748 = arith.constant 0 : index
    %swap3A_749 = arith.constant 0 : index
    %swap3A_750 = vector.load %arg7[%swap3A_748, %swap3A_749] : memref<128x128xf32, #tpu.memory_space<vmem>>, vector<128x128xf32>
    tpu.vector_store %arg7[%swap3A_748, %swap3A_749], %slice3A_747 {strides = array<i32>} : memref<128x128xf32, #tpu.memory_space<vmem>>, vector<128x128xf32>,
    %get3A_751 = arith.constant 0 : index
    %get3A_752 = arith.constant 768 : index
    %get3A_753 = vector.load %arg8[%get3A_751, %get3A_752] : memref<1x2048xf32, #tpu.memory_space<vmem>>, vector<1x128xf32>
    %scan3A_754 = arith.constant 0 : i32
    %scan3A_755 = arith.constant 128 : i32
    %scan3A_756 = arith.addi %scan3A_754, %scan3A_755 : i32
    %scan3A_757 = arith.constant 1 : i32
    %scan3A_758 = scf.for %scan3A_1489 = %scan3A_754 to %scan3A_756 step %scan3A_757 iter_args(%scan3A_1490 = %get3A_753) -> (vector<1x128xf32>)  : i32 {
      %eq3A_1491 = vector.broadcast %scan3A_1489 : i32 to vector<1x128xi32>
      %eq3A_1492 = arith.cmpi eq, %iota3A, %eq3A_1491 : vector<1x128xi32>
      %convert_element_type3A_1493 = arith.extui %eq3A_1492 : vector<1x128xi1> to vector<1x128xi32>
      %convert_element_type3A_1494 = arith.sitofp %convert_element_type3A_1493 : vector<1x128xi32> to vector<1x128xf32>
      %mul3A_1495 = arith.mulf %scan3A_1490, %convert_element_type3A_1494 : vector<1x128xf32>
      %reduce_sum3A = vector.shape_cast %mul3A_1495 : vector<1x128xf32> to vector<1x1x128xf32>
      %reduce_sum3A_1496 = arith.constant dense<0.000000e+00> : vector<1xf32>
      %reduce_sum3A_1497 = vector.multi_reduction <add>, %reduce_sum3A, %reduce_sum3A_1496 [1, 2] : vector<1x1x128xf32> to vector<1xf32>
      %reduce_sum3A_1498 = vector.shape_cast %reduce_sum3A_1497 : vector<1xf32> to vector<1x1x1xf32>
      %reduce_sum3A_1499 = vector.extract %reduce_sum3A_1498[0, 0, 0] : f32 from vector<1x1x1xf32>
      %sub3A_1500 = arith.constant 1.000000e+00 : f32
      %sub3A_1501 = arith.subf %sub3A_1500, %reduce_sum3A_1499 : f32
      %get3A_1502 = arith.index_cast %scan3A_1489 : i32 to index
      %get3A_1503 = arith.constant 0 : index
      %get3A_1504 = vector.load %arg7[%get3A_1502, %get3A_1503] : memref<128x128xf32, #tpu.memory_space<vmem>>, vector<1x128xf32>
      %mul3A_1505 = vector.broadcast %sub3A_1501 : f32 to vector<1x128xf32>
      %mul3A_1506 = arith.mulf %mul3A_1505, %get3A_1504 : vector<1x128xf32>
      %gt3A_1507 = vector.broadcast %scan3A_1489 : i32 to vector<1x128xi32>
      %gt3A_1508 = arith.cmpi sgt, %iota3A, %gt3A_1507 : vector<1x128xi32>
      %convert_element_type3A_1509 = arith.extui %gt3A_1508 : vector<1x128xi1> to vector<1x128xi32>
      %convert_element_type3A_1510 = arith.sitofp %convert_element_type3A_1509 : vector<1x128xi32> to vector<1x128xf32>
      %mul3A_1511 = arith.mulf %mul3A_1506, %convert_element_type3A_1510 : vector<1x128xf32>
      %max3A_1512 = arith.maximumf %scan3A_1490, %mul3A_1511 : vector<1x128xf32>
      scf.yield %max3A_1512 : vector<1x128xf32>
    }
    %scan3A_759 = arith.constant 128 : i32
    %swap3A_760 = arith.constant 0 : index
    %swap3A_761 = arith.constant 768 : index
    %swap3A_762 = vector.load %arg8[%swap3A_760, %swap3A_761] : memref<1x2048xf32, #tpu.memory_space<vmem>>, vector<1x128xf32>
    tpu.vector_store %arg8[%swap3A_760, %swap3A_761], %scan3A_758 {strides = array<i32>} : memref<1x2048xf32, #tpu.memory_space<vmem>>, vector<1x128xf32>,
    %sub3A_763 = arith.constant 1.000000e+00 : f32
    %sub3A_764 = vector.broadcast %sub3A_763 : f32 to vector<1x128xf32>
    %sub3A_765 = arith.subf %sub3A_764, %scan3A_758 : vector<1x128xf32>
    %slice3A_766 = vector.extract_strided_slice %convert_element_type3A_746 {offsets = [0, 128], sizes = [128, 1152], strides = [1, 1]} : vector<128x1280xf32> to vector<128x1152xf32>
    %dot_general3A_767 = arith.constant dense<0.000000e+00> : vector<1x1152xf32>
    %dot_general3A_768 = tpu.matmul %sub3A_765, %slice3A_766, %dot_general3A_767 {dimension_numbers = #tpu.dot_dimension_numbers<[1], [0], [0], [1], [0, 0, 1, 1], [], []>, transpose_lhs_hint = false} : vector<1x128xf32>, vector<128x1152xf32>, vector<1x1152xf32> -> vector<1x1152xf32>
    %get3A_769 = arith.constant 0 : index
    %get3A_770 = arith.constant 896 : index
    %get3A_771 = vector.load %arg8[%get3A_769, %get3A_770] : memref<1x2048xf32, #tpu.memory_space<vmem>>, vector<1x1152xf32>
    %gt3A_772 = arith.constant 5.000000e-01 : f32
    %gt3A_773 = vector.broadcast %gt3A_772 : f32 to vector<1x1152xf32>
    %gt3A_774 = arith.cmpf ogt, %dot_general3A_768, %gt3A_773 : vector<1x1152xf32>
    %convert_element_type3A_775 = arith.extui %gt3A_774 : vector<1x1152xi1> to vector<1x1152xi32>
    %convert_element_type3A_776 = arith.sitofp %convert_element_type3A_775 : vector<1x1152xi32> to vector<1x1152xf32>
    %max3A_777 = arith.maximumf %get3A_771, %convert_element_type3A_776 : vector<1x1152xf32>
    %swap3A_778 = arith.constant 0 : index
    %swap3A_779 = arith.constant 896 : index
    %swap3A_780 = vector.load %arg8[%swap3A_778, %swap3A_779] : memref<1x2048xf32, #tpu.memory_space<vmem>>, vector<1x1152xf32>
    tpu.vector_store %arg8[%swap3A_778, %swap3A_779], %max3A_777 {strides = array<i32>} : memref<1x2048xf32, #tpu.memory_space<vmem>>, vector<1x1152xf32>,
    %slice3A_781 = vector.extract_strided_slice %min3A_215 {offsets = [896, 0], sizes = [128, 1], strides = [1, 1]} : vector<2048x1xf32> to vector<128x1xf32>
    %slice3A_782 = vector.extract_strided_slice %min3A_220 {offsets = [896, 0], sizes = [128, 1], strides = [1, 1]} : vector<2048x1xf32> to vector<128x1xf32>
    %slice3A_783 = vector.extract_strided_slice %min3A_225 {offsets = [896, 0], sizes = [128, 1], strides = [1, 1]} : vector<2048x1xf32> to vector<128x1xf32>
    %slice3A_784 = vector.extract_strided_slice %min3A_230 {offsets = [896, 0], sizes = [128, 1], strides = [1, 1]} : vector<2048x1xf32> to vector<128x1xf32>
    %slice3A_785 = vector.extract_strided_slice %mul3A_239 {offsets = [896, 0], sizes = [128, 1], strides = [1, 1]} : vector<2048x1xf32> to vector<128x1xf32>
    %slice3A_786 = vector.extract_strided_slice %min3A_94 {offsets = [0, 896], sizes = [1, 1152], strides = [1, 1]} : vector<1x2048xf32> to vector<1x1152xf32>
    %max3A_787 = vector.broadcast %slice3A_781 : vector<128x1xf32> to vector<128x1152xf32>
    %max3A_788 = vector.broadcast %slice3A_786 : vector<1x1152xf32> to vector<128x1152xf32>
    %max3A_789 = arith.maximumf %max3A_787, %max3A_788 : vector<128x1152xf32>
    %slice3A_790 = vector.extract_strided_slice %min3A_99 {offsets = [0, 896], sizes = [1, 1152], strides = [1, 1]} : vector<1x2048xf32> to vector<1x1152xf32>
    %max3A_791 = vector.broadcast %slice3A_782 : vector<128x1xf32> to vector<128x1152xf32>
    %max3A_792 = vector.broadcast %slice3A_790 : vector<1x1152xf32> to vector<128x1152xf32>
    %max3A_793 = arith.maximumf %max3A_791, %max3A_792 : vector<128x1152xf32>
    %slice3A_794 = vector.extract_strided_slice %min3A_104 {offsets = [0, 896], sizes = [1, 1152], strides = [1, 1]} : vector<1x2048xf32> to vector<1x1152xf32>
    %min3A_795 = vector.broadcast %slice3A_783 : vector<128x1xf32> to vector<128x1152xf32>
    %min3A_796 = vector.broadcast %slice3A_794 : vector<1x1152xf32> to vector<128x1152xf32>
    %min3A_797 = arith.minimumf %min3A_795, %min3A_796 : vector<128x1152xf32>
    %slice3A_798 = vector.extract_strided_slice %min3A_109 {offsets = [0, 896], sizes = [1, 1152], strides = [1, 1]} : vector<1x2048xf32> to vector<1x1152xf32>
    %min3A_799 = vector.broadcast %slice3A_784 : vector<128x1xf32> to vector<128x1152xf32>
    %min3A_800 = vector.broadcast %slice3A_798 : vector<1x1152xf32> to vector<128x1152xf32>
    %min3A_801 = arith.minimumf %min3A_799, %min3A_800 : vector<128x1152xf32>
    %sub3A_802 = arith.subf %min3A_797, %max3A_789 : vector<128x1152xf32>
    %max3A_803 = arith.constant 0.000000e+00 : f32
    %max3A_804 = vector.broadcast %max3A_803 : f32 to vector<128x1152xf32>
    %max3A_805 = arith.maximumf %sub3A_802, %max3A_804 : vector<128x1152xf32>
    %sub3A_806 = arith.subf %min3A_801, %max3A_793 : vector<128x1152xf32>
    %max3A_807 = arith.constant 0.000000e+00 : f32
    %max3A_808 = vector.broadcast %max3A_807 : f32 to vector<128x1152xf32>
    %max3A_809 = arith.maximumf %sub3A_806, %max3A_808 : vector<128x1152xf32>
    %mul3A_810 = arith.mulf %max3A_805, %max3A_809 : vector<128x1152xf32>
    %slice3A_811 = vector.extract_strided_slice %mul3A_118 {offsets = [0, 896], sizes = [1, 1152], strides = [1, 1]} : vector<1x2048xf32> to vector<1x1152xf32>
    %add3A_812 = vector.broadcast %slice3A_785 : vector<128x1xf32> to vector<128x1152xf32>
    %add3A_813 = vector.broadcast %slice3A_811 : vector<1x1152xf32> to vector<128x1152xf32>
    %add3A_814 = arith.addf %add3A_812, %add3A_813 : vector<128x1152xf32>
    %sub3A_815 = arith.subf %add3A_814, %mul3A_810 : vector<128x1152xf32>
    %max3A_816 = arith.constant 9.99999971E-10 : f32
    %max3A_817 = vector.broadcast %max3A_816 : f32 to vector<128x1152xf32>
    %max3A_818 = arith.maximumf %sub3A_815, %max3A_817 : vector<128x1152xf32>
    %div3A_819 = arith.divf %mul3A_810, %max3A_818 : vector<128x1152xf32>
    %gt3A_820 = arith.constant 0.699999988 : f32
    %gt3A_821 = vector.broadcast %gt3A_820 : f32 to vector<128x1152xf32>
    %gt3A_822 = arith.cmpf ogt, %div3A_819, %gt3A_821 : vector<128x1152xf32>
    %convert_element_type3A_823 = arith.extui %gt3A_822 : vector<128x1152xi1> to vector<128x1152xi32>
    %convert_element_type3A_824 = arith.sitofp %convert_element_type3A_823 : vector<128x1152xi32> to vector<128x1152xf32>
    %slice3A_825 = vector.extract_strided_slice %convert_element_type3A_824 {offsets = [0, 0], sizes = [128, 128], strides = [1, 1]} : vector<128x1152xf32> to vector<128x128xf32>
    %swap3A_826 = arith.constant 0 : index
    %swap3A_827 = arith.constant 0 : index
    %swap3A_828 = vector.load %arg7[%swap3A_826, %swap3A_827] : memref<128x128xf32, #tpu.memory_space<vmem>>, vector<128x128xf32>
    tpu.vector_store %arg7[%swap3A_826, %swap3A_827], %slice3A_825 {strides = array<i32>} : memref<128x128xf32, #tpu.memory_space<vmem>>, vector<128x128xf32>,
    %get3A_829 = arith.constant 0 : index
    %get3A_830 = arith.constant 896 : index
    %get3A_831 = vector.load %arg8[%get3A_829, %get3A_830] : memref<1x2048xf32, #tpu.memory_space<vmem>>, vector<1x128xf32>
    %scan3A_832 = arith.constant 0 : i32
    %scan3A_833 = arith.constant 128 : i32
    %scan3A_834 = arith.addi %scan3A_832, %scan3A_833 : i32
    %scan3A_835 = arith.constant 1 : i32
    %scan3A_836 = scf.for %scan3A_1489 = %scan3A_832 to %scan3A_834 step %scan3A_835 iter_args(%scan3A_1490 = %get3A_831) -> (vector<1x128xf32>)  : i32 {
      %eq3A_1491 = vector.broadcast %scan3A_1489 : i32 to vector<1x128xi32>
      %eq3A_1492 = arith.cmpi eq, %iota3A, %eq3A_1491 : vector<1x128xi32>
      %convert_element_type3A_1493 = arith.extui %eq3A_1492 : vector<1x128xi1> to vector<1x128xi32>
      %convert_element_type3A_1494 = arith.sitofp %convert_element_type3A_1493 : vector<1x128xi32> to vector<1x128xf32>
      %mul3A_1495 = arith.mulf %scan3A_1490, %convert_element_type3A_1494 : vector<1x128xf32>
      %reduce_sum3A = vector.shape_cast %mul3A_1495 : vector<1x128xf32> to vector<1x1x128xf32>
      %reduce_sum3A_1496 = arith.constant dense<0.000000e+00> : vector<1xf32>
      %reduce_sum3A_1497 = vector.multi_reduction <add>, %reduce_sum3A, %reduce_sum3A_1496 [1, 2] : vector<1x1x128xf32> to vector<1xf32>
      %reduce_sum3A_1498 = vector.shape_cast %reduce_sum3A_1497 : vector<1xf32> to vector<1x1x1xf32>
      %reduce_sum3A_1499 = vector.extract %reduce_sum3A_1498[0, 0, 0] : f32 from vector<1x1x1xf32>
      %sub3A_1500 = arith.constant 1.000000e+00 : f32
      %sub3A_1501 = arith.subf %sub3A_1500, %reduce_sum3A_1499 : f32
      %get3A_1502 = arith.index_cast %scan3A_1489 : i32 to index
      %get3A_1503 = arith.constant 0 : index
      %get3A_1504 = vector.load %arg7[%get3A_1502, %get3A_1503] : memref<128x128xf32, #tpu.memory_space<vmem>>, vector<1x128xf32>
      %mul3A_1505 = vector.broadcast %sub3A_1501 : f32 to vector<1x128xf32>
      %mul3A_1506 = arith.mulf %mul3A_1505, %get3A_1504 : vector<1x128xf32>
      %gt3A_1507 = vector.broadcast %scan3A_1489 : i32 to vector<1x128xi32>
      %gt3A_1508 = arith.cmpi sgt, %iota3A, %gt3A_1507 : vector<1x128xi32>
      %convert_element_type3A_1509 = arith.extui %gt3A_1508 : vector<1x128xi1> to vector<1x128xi32>
      %convert_element_type3A_1510 = arith.sitofp %convert_element_type3A_1509 : vector<1x128xi32> to vector<1x128xf32>
      %mul3A_1511 = arith.mulf %mul3A_1506, %convert_element_type3A_1510 : vector<1x128xf32>
      %max3A_1512 = arith.maximumf %scan3A_1490, %mul3A_1511 : vector<1x128xf32>
      scf.yield %max3A_1512 : vector<1x128xf32>
    }
    %scan3A_837 = arith.constant 128 : i32
    %swap3A_838 = arith.constant 0 : index
    %swap3A_839 = arith.constant 896 : index
    %swap3A_840 = vector.load %arg8[%swap3A_838, %swap3A_839] : memref<1x2048xf32, #tpu.memory_space<vmem>>, vector<1x128xf32>
    tpu.vector_store %arg8[%swap3A_838, %swap3A_839], %scan3A_836 {strides = array<i32>} : memref<1x2048xf32, #tpu.memory_space<vmem>>, vector<1x128xf32>,
    %sub3A_841 = arith.constant 1.000000e+00 : f32
    %sub3A_842 = vector.broadcast %sub3A_841 : f32 to vector<1x128xf32>
    %sub3A_843 = arith.subf %sub3A_842, %scan3A_836 : vector<1x128xf32>
    %slice3A_844 = vector.extract_strided_slice %convert_element_type3A_824 {offsets = [0, 128], sizes = [128, 1024], strides = [1, 1]} : vector<128x1152xf32> to vector<128x1024xf32>
    %dot_general3A_845 = arith.constant dense<0.000000e+00> : vector<1x1024xf32>
    %dot_general3A_846 = tpu.matmul %sub3A_843, %slice3A_844, %dot_general3A_845 {dimension_numbers = #tpu.dot_dimension_numbers<[1], [0], [0], [1], [0, 0, 1, 1], [], []>, transpose_lhs_hint = false} : vector<1x128xf32>, vector<128x1024xf32>, vector<1x1024xf32> -> vector<1x1024xf32>
    %get3A_847 = arith.constant 0 : index
    %get3A_848 = arith.constant 1024 : index
    %get3A_849 = vector.load %arg8[%get3A_847, %get3A_848] : memref<1x2048xf32, #tpu.memory_space<vmem>>, vector<1x1024xf32>
    %gt3A_850 = arith.constant 5.000000e-01 : f32
    %gt3A_851 = vector.broadcast %gt3A_850 : f32 to vector<1x1024xf32>
    %gt3A_852 = arith.cmpf ogt, %dot_general3A_846, %gt3A_851 : vector<1x1024xf32>
    %convert_element_type3A_853 = arith.extui %gt3A_852 : vector<1x1024xi1> to vector<1x1024xi32>
    %convert_element_type3A_854 = arith.sitofp %convert_element_type3A_853 : vector<1x1024xi32> to vector<1x1024xf32>
    %max3A_855 = arith.maximumf %get3A_849, %convert_element_type3A_854 : vector<1x1024xf32>
    %swap3A_856 = arith.constant 0 : index
    %swap3A_857 = arith.constant 1024 : index
    %swap3A_858 = vector.load %arg8[%swap3A_856, %swap3A_857] : memref<1x2048xf32, #tpu.memory_space<vmem>>, vector<1x1024xf32>
    tpu.vector_store %arg8[%swap3A_856, %swap3A_857], %max3A_855 {strides = array<i32>} : memref<1x2048xf32, #tpu.memory_space<vmem>>, vector<1x1024xf32>,
    %slice3A_859 = vector.extract_strided_slice %min3A_215 {offsets = [1024, 0], sizes = [128, 1], strides = [1, 1]} : vector<2048x1xf32> to vector<128x1xf32>
    %slice3A_860 = vector.extract_strided_slice %min3A_220 {offsets = [1024, 0], sizes = [128, 1], strides = [1, 1]} : vector<2048x1xf32> to vector<128x1xf32>
    %slice3A_861 = vector.extract_strided_slice %min3A_225 {offsets = [1024, 0], sizes = [128, 1], strides = [1, 1]} : vector<2048x1xf32> to vector<128x1xf32>
    %slice3A_862 = vector.extract_strided_slice %min3A_230 {offsets = [1024, 0], sizes = [128, 1], strides = [1, 1]} : vector<2048x1xf32> to vector<128x1xf32>
    %slice3A_863 = vector.extract_strided_slice %mul3A_239 {offsets = [1024, 0], sizes = [128, 1], strides = [1, 1]} : vector<2048x1xf32> to vector<128x1xf32>
    %slice3A_864 = vector.extract_strided_slice %min3A_94 {offsets = [0, 1024], sizes = [1, 1024], strides = [1, 1]} : vector<1x2048xf32> to vector<1x1024xf32>
    %max3A_865 = vector.broadcast %slice3A_859 : vector<128x1xf32> to vector<128x1024xf32>
    %max3A_866 = vector.broadcast %slice3A_864 : vector<1x1024xf32> to vector<128x1024xf32>
    %max3A_867 = arith.maximumf %max3A_865, %max3A_866 : vector<128x1024xf32>
    %slice3A_868 = vector.extract_strided_slice %min3A_99 {offsets = [0, 1024], sizes = [1, 1024], strides = [1, 1]} : vector<1x2048xf32> to vector<1x1024xf32>
    %max3A_869 = vector.broadcast %slice3A_860 : vector<128x1xf32> to vector<128x1024xf32>
    %max3A_870 = vector.broadcast %slice3A_868 : vector<1x1024xf32> to vector<128x1024xf32>
    %max3A_871 = arith.maximumf %max3A_869, %max3A_870 : vector<128x1024xf32>
    %slice3A_872 = vector.extract_strided_slice %min3A_104 {offsets = [0, 1024], sizes = [1, 1024], strides = [1, 1]} : vector<1x2048xf32> to vector<1x1024xf32>
    %min3A_873 = vector.broadcast %slice3A_861 : vector<128x1xf32> to vector<128x1024xf32>
    %min3A_874 = vector.broadcast %slice3A_872 : vector<1x1024xf32> to vector<128x1024xf32>
    %min3A_875 = arith.minimumf %min3A_873, %min3A_874 : vector<128x1024xf32>
    %slice3A_876 = vector.extract_strided_slice %min3A_109 {offsets = [0, 1024], sizes = [1, 1024], strides = [1, 1]} : vector<1x2048xf32> to vector<1x1024xf32>
    %min3A_877 = vector.broadcast %slice3A_862 : vector<128x1xf32> to vector<128x1024xf32>
    %min3A_878 = vector.broadcast %slice3A_876 : vector<1x1024xf32> to vector<128x1024xf32>
    %min3A_879 = arith.minimumf %min3A_877, %min3A_878 : vector<128x1024xf32>
    %sub3A_880 = arith.subf %min3A_875, %max3A_867 : vector<128x1024xf32>
    %max3A_881 = arith.constant 0.000000e+00 : f32
    %max3A_882 = vector.broadcast %max3A_881 : f32 to vector<128x1024xf32>
    %max3A_883 = arith.maximumf %sub3A_880, %max3A_882 : vector<128x1024xf32>
    %sub3A_884 = arith.subf %min3A_879, %max3A_871 : vector<128x1024xf32>
    %max3A_885 = arith.constant 0.000000e+00 : f32
    %max3A_886 = vector.broadcast %max3A_885 : f32 to vector<128x1024xf32>
    %max3A_887 = arith.maximumf %sub3A_884, %max3A_886 : vector<128x1024xf32>
    %mul3A_888 = arith.mulf %max3A_883, %max3A_887 : vector<128x1024xf32>
    %slice3A_889 = vector.extract_strided_slice %mul3A_118 {offsets = [0, 1024], sizes = [1, 1024], strides = [1, 1]} : vector<1x2048xf32> to vector<1x1024xf32>
    %add3A_890 = vector.broadcast %slice3A_863 : vector<128x1xf32> to vector<128x1024xf32>
    %add3A_891 = vector.broadcast %slice3A_889 : vector<1x1024xf32> to vector<128x1024xf32>
    %add3A_892 = arith.addf %add3A_890, %add3A_891 : vector<128x1024xf32>
    %sub3A_893 = arith.subf %add3A_892, %mul3A_888 : vector<128x1024xf32>
    %max3A_894 = arith.constant 9.99999971E-10 : f32
    %max3A_895 = vector.broadcast %max3A_894 : f32 to vector<128x1024xf32>
    %max3A_896 = arith.maximumf %sub3A_893, %max3A_895 : vector<128x1024xf32>
    %div3A_897 = arith.divf %mul3A_888, %max3A_896 : vector<128x1024xf32>
    %gt3A_898 = arith.constant 0.699999988 : f32
    %gt3A_899 = vector.broadcast %gt3A_898 : f32 to vector<128x1024xf32>
    %gt3A_900 = arith.cmpf ogt, %div3A_897, %gt3A_899 : vector<128x1024xf32>
    %convert_element_type3A_901 = arith.extui %gt3A_900 : vector<128x1024xi1> to vector<128x1024xi32>
    %convert_element_type3A_902 = arith.sitofp %convert_element_type3A_901 : vector<128x1024xi32> to vector<128x1024xf32>
    %slice3A_903 = vector.extract_strided_slice %convert_element_type3A_902 {offsets = [0, 0], sizes = [128, 128], strides = [1, 1]} : vector<128x1024xf32> to vector<128x128xf32>
    %swap3A_904 = arith.constant 0 : index
    %swap3A_905 = arith.constant 0 : index
    %swap3A_906 = vector.load %arg7[%swap3A_904, %swap3A_905] : memref<128x128xf32, #tpu.memory_space<vmem>>, vector<128x128xf32>
    tpu.vector_store %arg7[%swap3A_904, %swap3A_905], %slice3A_903 {strides = array<i32>} : memref<128x128xf32, #tpu.memory_space<vmem>>, vector<128x128xf32>,
    %get3A_907 = arith.constant 0 : index
    %get3A_908 = arith.constant 1024 : index
    %get3A_909 = vector.load %arg8[%get3A_907, %get3A_908] : memref<1x2048xf32, #tpu.memory_space<vmem>>, vector<1x128xf32>
    %scan3A_910 = arith.constant 0 : i32
    %scan3A_911 = arith.constant 128 : i32
    %scan3A_912 = arith.addi %scan3A_910, %scan3A_911 : i32
    %scan3A_913 = arith.constant 1 : i32
    %scan3A_914 = scf.for %scan3A_1489 = %scan3A_910 to %scan3A_912 step %scan3A_913 iter_args(%scan3A_1490 = %get3A_909) -> (vector<1x128xf32>)  : i32 {
      %eq3A_1491 = vector.broadcast %scan3A_1489 : i32 to vector<1x128xi32>
      %eq3A_1492 = arith.cmpi eq, %iota3A, %eq3A_1491 : vector<1x128xi32>
      %convert_element_type3A_1493 = arith.extui %eq3A_1492 : vector<1x128xi1> to vector<1x128xi32>
      %convert_element_type3A_1494 = arith.sitofp %convert_element_type3A_1493 : vector<1x128xi32> to vector<1x128xf32>
      %mul3A_1495 = arith.mulf %scan3A_1490, %convert_element_type3A_1494 : vector<1x128xf32>
      %reduce_sum3A = vector.shape_cast %mul3A_1495 : vector<1x128xf32> to vector<1x1x128xf32>
      %reduce_sum3A_1496 = arith.constant dense<0.000000e+00> : vector<1xf32>
      %reduce_sum3A_1497 = vector.multi_reduction <add>, %reduce_sum3A, %reduce_sum3A_1496 [1, 2] : vector<1x1x128xf32> to vector<1xf32>
      %reduce_sum3A_1498 = vector.shape_cast %reduce_sum3A_1497 : vector<1xf32> to vector<1x1x1xf32>
      %reduce_sum3A_1499 = vector.extract %reduce_sum3A_1498[0, 0, 0] : f32 from vector<1x1x1xf32>
      %sub3A_1500 = arith.constant 1.000000e+00 : f32
      %sub3A_1501 = arith.subf %sub3A_1500, %reduce_sum3A_1499 : f32
      %get3A_1502 = arith.index_cast %scan3A_1489 : i32 to index
      %get3A_1503 = arith.constant 0 : index
      %get3A_1504 = vector.load %arg7[%get3A_1502, %get3A_1503] : memref<128x128xf32, #tpu.memory_space<vmem>>, vector<1x128xf32>
      %mul3A_1505 = vector.broadcast %sub3A_1501 : f32 to vector<1x128xf32>
      %mul3A_1506 = arith.mulf %mul3A_1505, %get3A_1504 : vector<1x128xf32>
      %gt3A_1507 = vector.broadcast %scan3A_1489 : i32 to vector<1x128xi32>
      %gt3A_1508 = arith.cmpi sgt, %iota3A, %gt3A_1507 : vector<1x128xi32>
      %convert_element_type3A_1509 = arith.extui %gt3A_1508 : vector<1x128xi1> to vector<1x128xi32>
      %convert_element_type3A_1510 = arith.sitofp %convert_element_type3A_1509 : vector<1x128xi32> to vector<1x128xf32>
      %mul3A_1511 = arith.mulf %mul3A_1506, %convert_element_type3A_1510 : vector<1x128xf32>
      %max3A_1512 = arith.maximumf %scan3A_1490, %mul3A_1511 : vector<1x128xf32>
      scf.yield %max3A_1512 : vector<1x128xf32>
    }
    %scan3A_915 = arith.constant 128 : i32
    %swap3A_916 = arith.constant 0 : index
    %swap3A_917 = arith.constant 1024 : index
    %swap3A_918 = vector.load %arg8[%swap3A_916, %swap3A_917] : memref<1x2048xf32, #tpu.memory_space<vmem>>, vector<1x128xf32>
    tpu.vector_store %arg8[%swap3A_916, %swap3A_917], %scan3A_914 {strides = array<i32>} : memref<1x2048xf32, #tpu.memory_space<vmem>>, vector<1x128xf32>,
    %sub3A_919 = arith.constant 1.000000e+00 : f32
    %sub3A_920 = vector.broadcast %sub3A_919 : f32 to vector<1x128xf32>
    %sub3A_921 = arith.subf %sub3A_920, %scan3A_914 : vector<1x128xf32>
    %slice3A_922 = vector.extract_strided_slice %convert_element_type3A_902 {offsets = [0, 128], sizes = [128, 896], strides = [1, 1]} : vector<128x1024xf32> to vector<128x896xf32>
    %dot_general3A_923 = arith.constant dense<0.000000e+00> : vector<1x896xf32>
    %dot_general3A_924 = tpu.matmul %sub3A_921, %slice3A_922, %dot_general3A_923 {dimension_numbers = #tpu.dot_dimension_numbers<[1], [0], [0], [1], [0, 0, 1, 1], [], []>, transpose_lhs_hint = false} : vector<1x128xf32>, vector<128x896xf32>, vector<1x896xf32> -> vector<1x896xf32>
    %get3A_925 = arith.constant 0 : index
    %get3A_926 = arith.constant 1152 : index
    %get3A_927 = vector.load %arg8[%get3A_925, %get3A_926] : memref<1x2048xf32, #tpu.memory_space<vmem>>, vector<1x896xf32>
    %gt3A_928 = arith.constant 5.000000e-01 : f32
    %gt3A_929 = vector.broadcast %gt3A_928 : f32 to vector<1x896xf32>
    %gt3A_930 = arith.cmpf ogt, %dot_general3A_924, %gt3A_929 : vector<1x896xf32>
    %convert_element_type3A_931 = arith.extui %gt3A_930 : vector<1x896xi1> to vector<1x896xi32>
    %convert_element_type3A_932 = arith.sitofp %convert_element_type3A_931 : vector<1x896xi32> to vector<1x896xf32>
    %max3A_933 = arith.maximumf %get3A_927, %convert_element_type3A_932 : vector<1x896xf32>
    %swap3A_934 = arith.constant 0 : index
    %swap3A_935 = arith.constant 1152 : index
    %swap3A_936 = vector.load %arg8[%swap3A_934, %swap3A_935] : memref<1x2048xf32, #tpu.memory_space<vmem>>, vector<1x896xf32>
    tpu.vector_store %arg8[%swap3A_934, %swap3A_935], %max3A_933 {strides = array<i32>} : memref<1x2048xf32, #tpu.memory_space<vmem>>, vector<1x896xf32>,
    %slice3A_937 = vector.extract_strided_slice %min3A_215 {offsets = [1152, 0], sizes = [128, 1], strides = [1, 1]} : vector<2048x1xf32> to vector<128x1xf32>
    %slice3A_938 = vector.extract_strided_slice %min3A_220 {offsets = [1152, 0], sizes = [128, 1], strides = [1, 1]} : vector<2048x1xf32> to vector<128x1xf32>
    %slice3A_939 = vector.extract_strided_slice %min3A_225 {offsets = [1152, 0], sizes = [128, 1], strides = [1, 1]} : vector<2048x1xf32> to vector<128x1xf32>
    %slice3A_940 = vector.extract_strided_slice %min3A_230 {offsets = [1152, 0], sizes = [128, 1], strides = [1, 1]} : vector<2048x1xf32> to vector<128x1xf32>
    %slice3A_941 = vector.extract_strided_slice %mul3A_239 {offsets = [1152, 0], sizes = [128, 1], strides = [1, 1]} : vector<2048x1xf32> to vector<128x1xf32>
    %slice3A_942 = vector.extract_strided_slice %min3A_94 {offsets = [0, 1152], sizes = [1, 896], strides = [1, 1]} : vector<1x2048xf32> to vector<1x896xf32>
    %max3A_943 = vector.broadcast %slice3A_937 : vector<128x1xf32> to vector<128x896xf32>
    %max3A_944 = vector.broadcast %slice3A_942 : vector<1x896xf32> to vector<128x896xf32>
    %max3A_945 = arith.maximumf %max3A_943, %max3A_944 : vector<128x896xf32>
    %slice3A_946 = vector.extract_strided_slice %min3A_99 {offsets = [0, 1152], sizes = [1, 896], strides = [1, 1]} : vector<1x2048xf32> to vector<1x896xf32>
    %max3A_947 = vector.broadcast %slice3A_938 : vector<128x1xf32> to vector<128x896xf32>
    %max3A_948 = vector.broadcast %slice3A_946 : vector<1x896xf32> to vector<128x896xf32>
    %max3A_949 = arith.maximumf %max3A_947, %max3A_948 : vector<128x896xf32>
    %slice3A_950 = vector.extract_strided_slice %min3A_104 {offsets = [0, 1152], sizes = [1, 896], strides = [1, 1]} : vector<1x2048xf32> to vector<1x896xf32>
    %min3A_951 = vector.broadcast %slice3A_939 : vector<128x1xf32> to vector<128x896xf32>
    %min3A_952 = vector.broadcast %slice3A_950 : vector<1x896xf32> to vector<128x896xf32>
    %min3A_953 = arith.minimumf %min3A_951, %min3A_952 : vector<128x896xf32>
    %slice3A_954 = vector.extract_strided_slice %min3A_109 {offsets = [0, 1152], sizes = [1, 896], strides = [1, 1]} : vector<1x2048xf32> to vector<1x896xf32>
    %min3A_955 = vector.broadcast %slice3A_940 : vector<128x1xf32> to vector<128x896xf32>
    %min3A_956 = vector.broadcast %slice3A_954 : vector<1x896xf32> to vector<128x896xf32>
    %min3A_957 = arith.minimumf %min3A_955, %min3A_956 : vector<128x896xf32>
    %sub3A_958 = arith.subf %min3A_953, %max3A_945 : vector<128x896xf32>
    %max3A_959 = arith.constant 0.000000e+00 : f32
    %max3A_960 = vector.broadcast %max3A_959 : f32 to vector<128x896xf32>
    %max3A_961 = arith.maximumf %sub3A_958, %max3A_960 : vector<128x896xf32>
    %sub3A_962 = arith.subf %min3A_957, %max3A_949 : vector<128x896xf32>
    %max3A_963 = arith.constant 0.000000e+00 : f32
    %max3A_964 = vector.broadcast %max3A_963 : f32 to vector<128x896xf32>
    %max3A_965 = arith.maximumf %sub3A_962, %max3A_964 : vector<128x896xf32>
    %mul3A_966 = arith.mulf %max3A_961, %max3A_965 : vector<128x896xf32>
    %slice3A_967 = vector.extract_strided_slice %mul3A_118 {offsets = [0, 1152], sizes = [1, 896], strides = [1, 1]} : vector<1x2048xf32> to vector<1x896xf32>
    %add3A_968 = vector.broadcast %slice3A_941 : vector<128x1xf32> to vector<128x896xf32>
    %add3A_969 = vector.broadcast %slice3A_967 : vector<1x896xf32> to vector<128x896xf32>
    %add3A_970 = arith.addf %add3A_968, %add3A_969 : vector<128x896xf32>
    %sub3A_971 = arith.subf %add3A_970, %mul3A_966 : vector<128x896xf32>
    %max3A_972 = arith.constant 9.99999971E-10 : f32
    %max3A_973 = vector.broadcast %max3A_972 : f32 to vector<128x896xf32>
    %max3A_974 = arith.maximumf %sub3A_971, %max3A_973 : vector<128x896xf32>
    %div3A_975 = arith.divf %mul3A_966, %max3A_974 : vector<128x896xf32>
    %gt3A_976 = arith.constant 0.699999988 : f32
    %gt3A_977 = vector.broadcast %gt3A_976 : f32 to vector<128x896xf32>
    %gt3A_978 = arith.cmpf ogt, %div3A_975, %gt3A_977 : vector<128x896xf32>
    %convert_element_type3A_979 = arith.extui %gt3A_978 : vector<128x896xi1> to vector<128x896xi32>
    %convert_element_type3A_980 = arith.sitofp %convert_element_type3A_979 : vector<128x896xi32> to vector<128x896xf32>
    %slice3A_981 = vector.extract_strided_slice %convert_element_type3A_980 {offsets = [0, 0], sizes = [128, 128], strides = [1, 1]} : vector<128x896xf32> to vector<128x128xf32>
    %swap3A_982 = arith.constant 0 : index
    %swap3A_983 = arith.constant 0 : index
    %swap3A_984 = vector.load %arg7[%swap3A_982, %swap3A_983] : memref<128x128xf32, #tpu.memory_space<vmem>>, vector<128x128xf32>
    tpu.vector_store %arg7[%swap3A_982, %swap3A_983], %slice3A_981 {strides = array<i32>} : memref<128x128xf32, #tpu.memory_space<vmem>>, vector<128x128xf32>,
    %get3A_985 = arith.constant 0 : index
    %get3A_986 = arith.constant 1152 : index
    %get3A_987 = vector.load %arg8[%get3A_985, %get3A_986] : memref<1x2048xf32, #tpu.memory_space<vmem>>, vector<1x128xf32>
    %scan3A_988 = arith.constant 0 : i32
    %scan3A_989 = arith.constant 128 : i32
    %scan3A_990 = arith.addi %scan3A_988, %scan3A_989 : i32
    %scan3A_991 = arith.constant 1 : i32
    %scan3A_992 = scf.for %scan3A_1489 = %scan3A_988 to %scan3A_990 step %scan3A_991 iter_args(%scan3A_1490 = %get3A_987) -> (vector<1x128xf32>)  : i32 {
      %eq3A_1491 = vector.broadcast %scan3A_1489 : i32 to vector<1x128xi32>
      %eq3A_1492 = arith.cmpi eq, %iota3A, %eq3A_1491 : vector<1x128xi32>
      %convert_element_type3A_1493 = arith.extui %eq3A_1492 : vector<1x128xi1> to vector<1x128xi32>
      %convert_element_type3A_1494 = arith.sitofp %convert_element_type3A_1493 : vector<1x128xi32> to vector<1x128xf32>
      %mul3A_1495 = arith.mulf %scan3A_1490, %convert_element_type3A_1494 : vector<1x128xf32>
      %reduce_sum3A = vector.shape_cast %mul3A_1495 : vector<1x128xf32> to vector<1x1x128xf32>
      %reduce_sum3A_1496 = arith.constant dense<0.000000e+00> : vector<1xf32>
      %reduce_sum3A_1497 = vector.multi_reduction <add>, %reduce_sum3A, %reduce_sum3A_1496 [1, 2] : vector<1x1x128xf32> to vector<1xf32>
      %reduce_sum3A_1498 = vector.shape_cast %reduce_sum3A_1497 : vector<1xf32> to vector<1x1x1xf32>
      %reduce_sum3A_1499 = vector.extract %reduce_sum3A_1498[0, 0, 0] : f32 from vector<1x1x1xf32>
      %sub3A_1500 = arith.constant 1.000000e+00 : f32
      %sub3A_1501 = arith.subf %sub3A_1500, %reduce_sum3A_1499 : f32
      %get3A_1502 = arith.index_cast %scan3A_1489 : i32 to index
      %get3A_1503 = arith.constant 0 : index
      %get3A_1504 = vector.load %arg7[%get3A_1502, %get3A_1503] : memref<128x128xf32, #tpu.memory_space<vmem>>, vector<1x128xf32>
      %mul3A_1505 = vector.broadcast %sub3A_1501 : f32 to vector<1x128xf32>
      %mul3A_1506 = arith.mulf %mul3A_1505, %get3A_1504 : vector<1x128xf32>
      %gt3A_1507 = vector.broadcast %scan3A_1489 : i32 to vector<1x128xi32>
      %gt3A_1508 = arith.cmpi sgt, %iota3A, %gt3A_1507 : vector<1x128xi32>
      %convert_element_type3A_1509 = arith.extui %gt3A_1508 : vector<1x128xi1> to vector<1x128xi32>
      %convert_element_type3A_1510 = arith.sitofp %convert_element_type3A_1509 : vector<1x128xi32> to vector<1x128xf32>
      %mul3A_1511 = arith.mulf %mul3A_1506, %convert_element_type3A_1510 : vector<1x128xf32>
      %max3A_1512 = arith.maximumf %scan3A_1490, %mul3A_1511 : vector<1x128xf32>
      scf.yield %max3A_1512 : vector<1x128xf32>
    }
    %scan3A_993 = arith.constant 128 : i32
    %swap3A_994 = arith.constant 0 : index
    %swap3A_995 = arith.constant 1152 : index
    %swap3A_996 = vector.load %arg8[%swap3A_994, %swap3A_995] : memref<1x2048xf32, #tpu.memory_space<vmem>>, vector<1x128xf32>
    tpu.vector_store %arg8[%swap3A_994, %swap3A_995], %scan3A_992 {strides = array<i32>} : memref<1x2048xf32, #tpu.memory_space<vmem>>, vector<1x128xf32>,
    %sub3A_997 = arith.constant 1.000000e+00 : f32
    %sub3A_998 = vector.broadcast %sub3A_997 : f32 to vector<1x128xf32>
    %sub3A_999 = arith.subf %sub3A_998, %scan3A_992 : vector<1x128xf32>
    %slice3A_1000 = vector.extract_strided_slice %convert_element_type3A_980 {offsets = [0, 128], sizes = [128, 768], strides = [1, 1]} : vector<128x896xf32> to vector<128x768xf32>
    %dot_general3A_1001 = arith.constant dense<0.000000e+00> : vector<1x768xf32>
    %dot_general3A_1002 = tpu.matmul %sub3A_999, %slice3A_1000, %dot_general3A_1001 {dimension_numbers = #tpu.dot_dimension_numbers<[1], [0], [0], [1], [0, 0, 1, 1], [], []>, transpose_lhs_hint = false} : vector<1x128xf32>, vector<128x768xf32>, vector<1x768xf32> -> vector<1x768xf32>
    %get3A_1003 = arith.constant 0 : index
    %get3A_1004 = arith.constant 1280 : index
    %get3A_1005 = vector.load %arg8[%get3A_1003, %get3A_1004] : memref<1x2048xf32, #tpu.memory_space<vmem>>, vector<1x768xf32>
    %gt3A_1006 = arith.constant 5.000000e-01 : f32
    %gt3A_1007 = vector.broadcast %gt3A_1006 : f32 to vector<1x768xf32>
    %gt3A_1008 = arith.cmpf ogt, %dot_general3A_1002, %gt3A_1007 : vector<1x768xf32>
    %convert_element_type3A_1009 = arith.extui %gt3A_1008 : vector<1x768xi1> to vector<1x768xi32>
    %convert_element_type3A_1010 = arith.sitofp %convert_element_type3A_1009 : vector<1x768xi32> to vector<1x768xf32>
    %max3A_1011 = arith.maximumf %get3A_1005, %convert_element_type3A_1010 : vector<1x768xf32>
    %swap3A_1012 = arith.constant 0 : index
    %swap3A_1013 = arith.constant 1280 : index
    %swap3A_1014 = vector.load %arg8[%swap3A_1012, %swap3A_1013] : memref<1x2048xf32, #tpu.memory_space<vmem>>, vector<1x768xf32>
    tpu.vector_store %arg8[%swap3A_1012, %swap3A_1013], %max3A_1011 {strides = array<i32>} : memref<1x2048xf32, #tpu.memory_space<vmem>>, vector<1x768xf32>,
    %slice3A_1015 = vector.extract_strided_slice %min3A_215 {offsets = [1280, 0], sizes = [128, 1], strides = [1, 1]} : vector<2048x1xf32> to vector<128x1xf32>
    %slice3A_1016 = vector.extract_strided_slice %min3A_220 {offsets = [1280, 0], sizes = [128, 1], strides = [1, 1]} : vector<2048x1xf32> to vector<128x1xf32>
    %slice3A_1017 = vector.extract_strided_slice %min3A_225 {offsets = [1280, 0], sizes = [128, 1], strides = [1, 1]} : vector<2048x1xf32> to vector<128x1xf32>
    %slice3A_1018 = vector.extract_strided_slice %min3A_230 {offsets = [1280, 0], sizes = [128, 1], strides = [1, 1]} : vector<2048x1xf32> to vector<128x1xf32>
    %slice3A_1019 = vector.extract_strided_slice %mul3A_239 {offsets = [1280, 0], sizes = [128, 1], strides = [1, 1]} : vector<2048x1xf32> to vector<128x1xf32>
    %slice3A_1020 = vector.extract_strided_slice %min3A_94 {offsets = [0, 1280], sizes = [1, 768], strides = [1, 1]} : vector<1x2048xf32> to vector<1x768xf32>
    %max3A_1021 = vector.broadcast %slice3A_1015 : vector<128x1xf32> to vector<128x768xf32>
    %max3A_1022 = vector.broadcast %slice3A_1020 : vector<1x768xf32> to vector<128x768xf32>
    %max3A_1023 = arith.maximumf %max3A_1021, %max3A_1022 : vector<128x768xf32>
    %slice3A_1024 = vector.extract_strided_slice %min3A_99 {offsets = [0, 1280], sizes = [1, 768], strides = [1, 1]} : vector<1x2048xf32> to vector<1x768xf32>
    %max3A_1025 = vector.broadcast %slice3A_1016 : vector<128x1xf32> to vector<128x768xf32>
    %max3A_1026 = vector.broadcast %slice3A_1024 : vector<1x768xf32> to vector<128x768xf32>
    %max3A_1027 = arith.maximumf %max3A_1025, %max3A_1026 : vector<128x768xf32>
    %slice3A_1028 = vector.extract_strided_slice %min3A_104 {offsets = [0, 1280], sizes = [1, 768], strides = [1, 1]} : vector<1x2048xf32> to vector<1x768xf32>
    %min3A_1029 = vector.broadcast %slice3A_1017 : vector<128x1xf32> to vector<128x768xf32>
    %min3A_1030 = vector.broadcast %slice3A_1028 : vector<1x768xf32> to vector<128x768xf32>
    %min3A_1031 = arith.minimumf %min3A_1029, %min3A_1030 : vector<128x768xf32>
    %slice3A_1032 = vector.extract_strided_slice %min3A_109 {offsets = [0, 1280], sizes = [1, 768], strides = [1, 1]} : vector<1x2048xf32> to vector<1x768xf32>
    %min3A_1033 = vector.broadcast %slice3A_1018 : vector<128x1xf32> to vector<128x768xf32>
    %min3A_1034 = vector.broadcast %slice3A_1032 : vector<1x768xf32> to vector<128x768xf32>
    %min3A_1035 = arith.minimumf %min3A_1033, %min3A_1034 : vector<128x768xf32>
    %sub3A_1036 = arith.subf %min3A_1031, %max3A_1023 : vector<128x768xf32>
    %max3A_1037 = arith.constant 0.000000e+00 : f32
    %max3A_1038 = vector.broadcast %max3A_1037 : f32 to vector<128x768xf32>
    %max3A_1039 = arith.maximumf %sub3A_1036, %max3A_1038 : vector<128x768xf32>
    %sub3A_1040 = arith.subf %min3A_1035, %max3A_1027 : vector<128x768xf32>
    %max3A_1041 = arith.constant 0.000000e+00 : f32
    %max3A_1042 = vector.broadcast %max3A_1041 : f32 to vector<128x768xf32>
    %max3A_1043 = arith.maximumf %sub3A_1040, %max3A_1042 : vector<128x768xf32>
    %mul3A_1044 = arith.mulf %max3A_1039, %max3A_1043 : vector<128x768xf32>
    %slice3A_1045 = vector.extract_strided_slice %mul3A_118 {offsets = [0, 1280], sizes = [1, 768], strides = [1, 1]} : vector<1x2048xf32> to vector<1x768xf32>
    %add3A_1046 = vector.broadcast %slice3A_1019 : vector<128x1xf32> to vector<128x768xf32>
    %add3A_1047 = vector.broadcast %slice3A_1045 : vector<1x768xf32> to vector<128x768xf32>
    %add3A_1048 = arith.addf %add3A_1046, %add3A_1047 : vector<128x768xf32>
    %sub3A_1049 = arith.subf %add3A_1048, %mul3A_1044 : vector<128x768xf32>
    %max3A_1050 = arith.constant 9.99999971E-10 : f32
    %max3A_1051 = vector.broadcast %max3A_1050 : f32 to vector<128x768xf32>
    %max3A_1052 = arith.maximumf %sub3A_1049, %max3A_1051 : vector<128x768xf32>
    %div3A_1053 = arith.divf %mul3A_1044, %max3A_1052 : vector<128x768xf32>
    %gt3A_1054 = arith.constant 0.699999988 : f32
    %gt3A_1055 = vector.broadcast %gt3A_1054 : f32 to vector<128x768xf32>
    %gt3A_1056 = arith.cmpf ogt, %div3A_1053, %gt3A_1055 : vector<128x768xf32>
    %convert_element_type3A_1057 = arith.extui %gt3A_1056 : vector<128x768xi1> to vector<128x768xi32>
    %convert_element_type3A_1058 = arith.sitofp %convert_element_type3A_1057 : vector<128x768xi32> to vector<128x768xf32>
    %slice3A_1059 = vector.extract_strided_slice %convert_element_type3A_1058 {offsets = [0, 0], sizes = [128, 128], strides = [1, 1]} : vector<128x768xf32> to vector<128x128xf32>
    %swap3A_1060 = arith.constant 0 : index
    %swap3A_1061 = arith.constant 0 : index
    %swap3A_1062 = vector.load %arg7[%swap3A_1060, %swap3A_1061] : memref<128x128xf32, #tpu.memory_space<vmem>>, vector<128x128xf32>
    tpu.vector_store %arg7[%swap3A_1060, %swap3A_1061], %slice3A_1059 {strides = array<i32>} : memref<128x128xf32, #tpu.memory_space<vmem>>, vector<128x128xf32>,
    %get3A_1063 = arith.constant 0 : index
    %get3A_1064 = arith.constant 1280 : index
    %get3A_1065 = vector.load %arg8[%get3A_1063, %get3A_1064] : memref<1x2048xf32, #tpu.memory_space<vmem>>, vector<1x128xf32>
    %scan3A_1066 = arith.constant 0 : i32
    %scan3A_1067 = arith.constant 128 : i32
    %scan3A_1068 = arith.addi %scan3A_1066, %scan3A_1067 : i32
    %scan3A_1069 = arith.constant 1 : i32
    %scan3A_1070 = scf.for %scan3A_1489 = %scan3A_1066 to %scan3A_1068 step %scan3A_1069 iter_args(%scan3A_1490 = %get3A_1065) -> (vector<1x128xf32>)  : i32 {
      %eq3A_1491 = vector.broadcast %scan3A_1489 : i32 to vector<1x128xi32>
      %eq3A_1492 = arith.cmpi eq, %iota3A, %eq3A_1491 : vector<1x128xi32>
      %convert_element_type3A_1493 = arith.extui %eq3A_1492 : vector<1x128xi1> to vector<1x128xi32>
      %convert_element_type3A_1494 = arith.sitofp %convert_element_type3A_1493 : vector<1x128xi32> to vector<1x128xf32>
      %mul3A_1495 = arith.mulf %scan3A_1490, %convert_element_type3A_1494 : vector<1x128xf32>
      %reduce_sum3A = vector.shape_cast %mul3A_1495 : vector<1x128xf32> to vector<1x1x128xf32>
      %reduce_sum3A_1496 = arith.constant dense<0.000000e+00> : vector<1xf32>
      %reduce_sum3A_1497 = vector.multi_reduction <add>, %reduce_sum3A, %reduce_sum3A_1496 [1, 2] : vector<1x1x128xf32> to vector<1xf32>
      %reduce_sum3A_1498 = vector.shape_cast %reduce_sum3A_1497 : vector<1xf32> to vector<1x1x1xf32>
      %reduce_sum3A_1499 = vector.extract %reduce_sum3A_1498[0, 0, 0] : f32 from vector<1x1x1xf32>
      %sub3A_1500 = arith.constant 1.000000e+00 : f32
      %sub3A_1501 = arith.subf %sub3A_1500, %reduce_sum3A_1499 : f32
      %get3A_1502 = arith.index_cast %scan3A_1489 : i32 to index
      %get3A_1503 = arith.constant 0 : index
      %get3A_1504 = vector.load %arg7[%get3A_1502, %get3A_1503] : memref<128x128xf32, #tpu.memory_space<vmem>>, vector<1x128xf32>
      %mul3A_1505 = vector.broadcast %sub3A_1501 : f32 to vector<1x128xf32>
      %mul3A_1506 = arith.mulf %mul3A_1505, %get3A_1504 : vector<1x128xf32>
      %gt3A_1507 = vector.broadcast %scan3A_1489 : i32 to vector<1x128xi32>
      %gt3A_1508 = arith.cmpi sgt, %iota3A, %gt3A_1507 : vector<1x128xi32>
      %convert_element_type3A_1509 = arith.extui %gt3A_1508 : vector<1x128xi1> to vector<1x128xi32>
      %convert_element_type3A_1510 = arith.sitofp %convert_element_type3A_1509 : vector<1x128xi32> to vector<1x128xf32>
      %mul3A_1511 = arith.mulf %mul3A_1506, %convert_element_type3A_1510 : vector<1x128xf32>
      %max3A_1512 = arith.maximumf %scan3A_1490, %mul3A_1511 : vector<1x128xf32>
      scf.yield %max3A_1512 : vector<1x128xf32>
    }
    %scan3A_1071 = arith.constant 128 : i32
    %swap3A_1072 = arith.constant 0 : index
    %swap3A_1073 = arith.constant 1280 : index
    %swap3A_1074 = vector.load %arg8[%swap3A_1072, %swap3A_1073] : memref<1x2048xf32, #tpu.memory_space<vmem>>, vector<1x128xf32>
    tpu.vector_store %arg8[%swap3A_1072, %swap3A_1073], %scan3A_1070 {strides = array<i32>} : memref<1x2048xf32, #tpu.memory_space<vmem>>, vector<1x128xf32>,
    %sub3A_1075 = arith.constant 1.000000e+00 : f32
    %sub3A_1076 = vector.broadcast %sub3A_1075 : f32 to vector<1x128xf32>
    %sub3A_1077 = arith.subf %sub3A_1076, %scan3A_1070 : vector<1x128xf32>
    %slice3A_1078 = vector.extract_strided_slice %convert_element_type3A_1058 {offsets = [0, 128], sizes = [128, 640], strides = [1, 1]} : vector<128x768xf32> to vector<128x640xf32>
    %dot_general3A_1079 = arith.constant dense<0.000000e+00> : vector<1x640xf32>
    %dot_general3A_1080 = tpu.matmul %sub3A_1077, %slice3A_1078, %dot_general3A_1079 {dimension_numbers = #tpu.dot_dimension_numbers<[1], [0], [0], [1], [0, 0, 1, 1], [], []>, transpose_lhs_hint = false} : vector<1x128xf32>, vector<128x640xf32>, vector<1x640xf32> -> vector<1x640xf32>
    %get3A_1081 = arith.constant 0 : index
    %get3A_1082 = arith.constant 1408 : index
    %get3A_1083 = vector.load %arg8[%get3A_1081, %get3A_1082] : memref<1x2048xf32, #tpu.memory_space<vmem>>, vector<1x640xf32>
    %gt3A_1084 = arith.constant 5.000000e-01 : f32
    %gt3A_1085 = vector.broadcast %gt3A_1084 : f32 to vector<1x640xf32>
    %gt3A_1086 = arith.cmpf ogt, %dot_general3A_1080, %gt3A_1085 : vector<1x640xf32>
    %convert_element_type3A_1087 = arith.extui %gt3A_1086 : vector<1x640xi1> to vector<1x640xi32>
    %convert_element_type3A_1088 = arith.sitofp %convert_element_type3A_1087 : vector<1x640xi32> to vector<1x640xf32>
    %max3A_1089 = arith.maximumf %get3A_1083, %convert_element_type3A_1088 : vector<1x640xf32>
    %swap3A_1090 = arith.constant 0 : index
    %swap3A_1091 = arith.constant 1408 : index
    %swap3A_1092 = vector.load %arg8[%swap3A_1090, %swap3A_1091] : memref<1x2048xf32, #tpu.memory_space<vmem>>, vector<1x640xf32>
    tpu.vector_store %arg8[%swap3A_1090, %swap3A_1091], %max3A_1089 {strides = array<i32>} : memref<1x2048xf32, #tpu.memory_space<vmem>>, vector<1x640xf32>,
    %slice3A_1093 = vector.extract_strided_slice %min3A_215 {offsets = [1408, 0], sizes = [128, 1], strides = [1, 1]} : vector<2048x1xf32> to vector<128x1xf32>
    %slice3A_1094 = vector.extract_strided_slice %min3A_220 {offsets = [1408, 0], sizes = [128, 1], strides = [1, 1]} : vector<2048x1xf32> to vector<128x1xf32>
    %slice3A_1095 = vector.extract_strided_slice %min3A_225 {offsets = [1408, 0], sizes = [128, 1], strides = [1, 1]} : vector<2048x1xf32> to vector<128x1xf32>
    %slice3A_1096 = vector.extract_strided_slice %min3A_230 {offsets = [1408, 0], sizes = [128, 1], strides = [1, 1]} : vector<2048x1xf32> to vector<128x1xf32>
    %slice3A_1097 = vector.extract_strided_slice %mul3A_239 {offsets = [1408, 0], sizes = [128, 1], strides = [1, 1]} : vector<2048x1xf32> to vector<128x1xf32>
    %slice3A_1098 = vector.extract_strided_slice %min3A_94 {offsets = [0, 1408], sizes = [1, 640], strides = [1, 1]} : vector<1x2048xf32> to vector<1x640xf32>
    %max3A_1099 = vector.broadcast %slice3A_1093 : vector<128x1xf32> to vector<128x640xf32>
    %max3A_1100 = vector.broadcast %slice3A_1098 : vector<1x640xf32> to vector<128x640xf32>
    %max3A_1101 = arith.maximumf %max3A_1099, %max3A_1100 : vector<128x640xf32>
    %slice3A_1102 = vector.extract_strided_slice %min3A_99 {offsets = [0, 1408], sizes = [1, 640], strides = [1, 1]} : vector<1x2048xf32> to vector<1x640xf32>
    %max3A_1103 = vector.broadcast %slice3A_1094 : vector<128x1xf32> to vector<128x640xf32>
    %max3A_1104 = vector.broadcast %slice3A_1102 : vector<1x640xf32> to vector<128x640xf32>
    %max3A_1105 = arith.maximumf %max3A_1103, %max3A_1104 : vector<128x640xf32>
    %slice3A_1106 = vector.extract_strided_slice %min3A_104 {offsets = [0, 1408], sizes = [1, 640], strides = [1, 1]} : vector<1x2048xf32> to vector<1x640xf32>
    %min3A_1107 = vector.broadcast %slice3A_1095 : vector<128x1xf32> to vector<128x640xf32>
    %min3A_1108 = vector.broadcast %slice3A_1106 : vector<1x640xf32> to vector<128x640xf32>
    %min3A_1109 = arith.minimumf %min3A_1107, %min3A_1108 : vector<128x640xf32>
    %slice3A_1110 = vector.extract_strided_slice %min3A_109 {offsets = [0, 1408], sizes = [1, 640], strides = [1, 1]} : vector<1x2048xf32> to vector<1x640xf32>
    %min3A_1111 = vector.broadcast %slice3A_1096 : vector<128x1xf32> to vector<128x640xf32>
    %min3A_1112 = vector.broadcast %slice3A_1110 : vector<1x640xf32> to vector<128x640xf32>
    %min3A_1113 = arith.minimumf %min3A_1111, %min3A_1112 : vector<128x640xf32>
    %sub3A_1114 = arith.subf %min3A_1109, %max3A_1101 : vector<128x640xf32>
    %max3A_1115 = arith.constant 0.000000e+00 : f32
    %max3A_1116 = vector.broadcast %max3A_1115 : f32 to vector<128x640xf32>
    %max3A_1117 = arith.maximumf %sub3A_1114, %max3A_1116 : vector<128x640xf32>
    %sub3A_1118 = arith.subf %min3A_1113, %max3A_1105 : vector<128x640xf32>
    %max3A_1119 = arith.constant 0.000000e+00 : f32
    %max3A_1120 = vector.broadcast %max3A_1119 : f32 to vector<128x640xf32>
    %max3A_1121 = arith.maximumf %sub3A_1118, %max3A_1120 : vector<128x640xf32>
    %mul3A_1122 = arith.mulf %max3A_1117, %max3A_1121 : vector<128x640xf32>
    %slice3A_1123 = vector.extract_strided_slice %mul3A_118 {offsets = [0, 1408], sizes = [1, 640], strides = [1, 1]} : vector<1x2048xf32> to vector<1x640xf32>
    %add3A_1124 = vector.broadcast %slice3A_1097 : vector<128x1xf32> to vector<128x640xf32>
    %add3A_1125 = vector.broadcast %slice3A_1123 : vector<1x640xf32> to vector<128x640xf32>
    %add3A_1126 = arith.addf %add3A_1124, %add3A_1125 : vector<128x640xf32>
    %sub3A_1127 = arith.subf %add3A_1126, %mul3A_1122 : vector<128x640xf32>
    %max3A_1128 = arith.constant 9.99999971E-10 : f32
    %max3A_1129 = vector.broadcast %max3A_1128 : f32 to vector<128x640xf32>
    %max3A_1130 = arith.maximumf %sub3A_1127, %max3A_1129 : vector<128x640xf32>
    %div3A_1131 = arith.divf %mul3A_1122, %max3A_1130 : vector<128x640xf32>
    %gt3A_1132 = arith.constant 0.699999988 : f32
    %gt3A_1133 = vector.broadcast %gt3A_1132 : f32 to vector<128x640xf32>
    %gt3A_1134 = arith.cmpf ogt, %div3A_1131, %gt3A_1133 : vector<128x640xf32>
    %convert_element_type3A_1135 = arith.extui %gt3A_1134 : vector<128x640xi1> to vector<128x640xi32>
    %convert_element_type3A_1136 = arith.sitofp %convert_element_type3A_1135 : vector<128x640xi32> to vector<128x640xf32>
    %slice3A_1137 = vector.extract_strided_slice %convert_element_type3A_1136 {offsets = [0, 0], sizes = [128, 128], strides = [1, 1]} : vector<128x640xf32> to vector<128x128xf32>
    %swap3A_1138 = arith.constant 0 : index
    %swap3A_1139 = arith.constant 0 : index
    %swap3A_1140 = vector.load %arg7[%swap3A_1138, %swap3A_1139] : memref<128x128xf32, #tpu.memory_space<vmem>>, vector<128x128xf32>
    tpu.vector_store %arg7[%swap3A_1138, %swap3A_1139], %slice3A_1137 {strides = array<i32>} : memref<128x128xf32, #tpu.memory_space<vmem>>, vector<128x128xf32>,
    %get3A_1141 = arith.constant 0 : index
    %get3A_1142 = arith.constant 1408 : index
    %get3A_1143 = vector.load %arg8[%get3A_1141, %get3A_1142] : memref<1x2048xf32, #tpu.memory_space<vmem>>, vector<1x128xf32>
    %scan3A_1144 = arith.constant 0 : i32
    %scan3A_1145 = arith.constant 128 : i32
    %scan3A_1146 = arith.addi %scan3A_1144, %scan3A_1145 : i32
    %scan3A_1147 = arith.constant 1 : i32
    %scan3A_1148 = scf.for %scan3A_1489 = %scan3A_1144 to %scan3A_1146 step %scan3A_1147 iter_args(%scan3A_1490 = %get3A_1143) -> (vector<1x128xf32>)  : i32 {
      %eq3A_1491 = vector.broadcast %scan3A_1489 : i32 to vector<1x128xi32>
      %eq3A_1492 = arith.cmpi eq, %iota3A, %eq3A_1491 : vector<1x128xi32>
      %convert_element_type3A_1493 = arith.extui %eq3A_1492 : vector<1x128xi1> to vector<1x128xi32>
      %convert_element_type3A_1494 = arith.sitofp %convert_element_type3A_1493 : vector<1x128xi32> to vector<1x128xf32>
      %mul3A_1495 = arith.mulf %scan3A_1490, %convert_element_type3A_1494 : vector<1x128xf32>
      %reduce_sum3A = vector.shape_cast %mul3A_1495 : vector<1x128xf32> to vector<1x1x128xf32>
      %reduce_sum3A_1496 = arith.constant dense<0.000000e+00> : vector<1xf32>
      %reduce_sum3A_1497 = vector.multi_reduction <add>, %reduce_sum3A, %reduce_sum3A_1496 [1, 2] : vector<1x1x128xf32> to vector<1xf32>
      %reduce_sum3A_1498 = vector.shape_cast %reduce_sum3A_1497 : vector<1xf32> to vector<1x1x1xf32>
      %reduce_sum3A_1499 = vector.extract %reduce_sum3A_1498[0, 0, 0] : f32 from vector<1x1x1xf32>
      %sub3A_1500 = arith.constant 1.000000e+00 : f32
      %sub3A_1501 = arith.subf %sub3A_1500, %reduce_sum3A_1499 : f32
      %get3A_1502 = arith.index_cast %scan3A_1489 : i32 to index
      %get3A_1503 = arith.constant 0 : index
      %get3A_1504 = vector.load %arg7[%get3A_1502, %get3A_1503] : memref<128x128xf32, #tpu.memory_space<vmem>>, vector<1x128xf32>
      %mul3A_1505 = vector.broadcast %sub3A_1501 : f32 to vector<1x128xf32>
      %mul3A_1506 = arith.mulf %mul3A_1505, %get3A_1504 : vector<1x128xf32>
      %gt3A_1507 = vector.broadcast %scan3A_1489 : i32 to vector<1x128xi32>
      %gt3A_1508 = arith.cmpi sgt, %iota3A, %gt3A_1507 : vector<1x128xi32>
      %convert_element_type3A_1509 = arith.extui %gt3A_1508 : vector<1x128xi1> to vector<1x128xi32>
      %convert_element_type3A_1510 = arith.sitofp %convert_element_type3A_1509 : vector<1x128xi32> to vector<1x128xf32>
      %mul3A_1511 = arith.mulf %mul3A_1506, %convert_element_type3A_1510 : vector<1x128xf32>
      %max3A_1512 = arith.maximumf %scan3A_1490, %mul3A_1511 : vector<1x128xf32>
      scf.yield %max3A_1512 : vector<1x128xf32>
    }
    %scan3A_1149 = arith.constant 128 : i32
    %swap3A_1150 = arith.constant 0 : index
    %swap3A_1151 = arith.constant 1408 : index
    %swap3A_1152 = vector.load %arg8[%swap3A_1150, %swap3A_1151] : memref<1x2048xf32, #tpu.memory_space<vmem>>, vector<1x128xf32>
    tpu.vector_store %arg8[%swap3A_1150, %swap3A_1151], %scan3A_1148 {strides = array<i32>} : memref<1x2048xf32, #tpu.memory_space<vmem>>, vector<1x128xf32>,
    %sub3A_1153 = arith.constant 1.000000e+00 : f32
    %sub3A_1154 = vector.broadcast %sub3A_1153 : f32 to vector<1x128xf32>
    %sub3A_1155 = arith.subf %sub3A_1154, %scan3A_1148 : vector<1x128xf32>
    %slice3A_1156 = vector.extract_strided_slice %convert_element_type3A_1136 {offsets = [0, 128], sizes = [128, 512], strides = [1, 1]} : vector<128x640xf32> to vector<128x512xf32>
    %dot_general3A_1157 = arith.constant dense<0.000000e+00> : vector<1x512xf32>
    %dot_general3A_1158 = tpu.matmul %sub3A_1155, %slice3A_1156, %dot_general3A_1157 {dimension_numbers = #tpu.dot_dimension_numbers<[1], [0], [0], [1], [0, 0, 1, 1], [], []>, transpose_lhs_hint = false} : vector<1x128xf32>, vector<128x512xf32>, vector<1x512xf32> -> vector<1x512xf32>
    %get3A_1159 = arith.constant 0 : index
    %get3A_1160 = arith.constant 1536 : index
    %get3A_1161 = vector.load %arg8[%get3A_1159, %get3A_1160] : memref<1x2048xf32, #tpu.memory_space<vmem>>, vector<1x512xf32>
    %gt3A_1162 = arith.constant 5.000000e-01 : f32
    %gt3A_1163 = vector.broadcast %gt3A_1162 : f32 to vector<1x512xf32>
    %gt3A_1164 = arith.cmpf ogt, %dot_general3A_1158, %gt3A_1163 : vector<1x512xf32>
    %convert_element_type3A_1165 = arith.extui %gt3A_1164 : vector<1x512xi1> to vector<1x512xi32>
    %convert_element_type3A_1166 = arith.sitofp %convert_element_type3A_1165 : vector<1x512xi32> to vector<1x512xf32>
    %max3A_1167 = arith.maximumf %get3A_1161, %convert_element_type3A_1166 : vector<1x512xf32>
    %swap3A_1168 = arith.constant 0 : index
    %swap3A_1169 = arith.constant 1536 : index
    %swap3A_1170 = vector.load %arg8[%swap3A_1168, %swap3A_1169] : memref<1x2048xf32, #tpu.memory_space<vmem>>, vector<1x512xf32>
    tpu.vector_store %arg8[%swap3A_1168, %swap3A_1169], %max3A_1167 {strides = array<i32>} : memref<1x2048xf32, #tpu.memory_space<vmem>>, vector<1x512xf32>,
    %slice3A_1171 = vector.extract_strided_slice %min3A_215 {offsets = [1536, 0], sizes = [128, 1], strides = [1, 1]} : vector<2048x1xf32> to vector<128x1xf32>
    %slice3A_1172 = vector.extract_strided_slice %min3A_220 {offsets = [1536, 0], sizes = [128, 1], strides = [1, 1]} : vector<2048x1xf32> to vector<128x1xf32>
    %slice3A_1173 = vector.extract_strided_slice %min3A_225 {offsets = [1536, 0], sizes = [128, 1], strides = [1, 1]} : vector<2048x1xf32> to vector<128x1xf32>
    %slice3A_1174 = vector.extract_strided_slice %min3A_230 {offsets = [1536, 0], sizes = [128, 1], strides = [1, 1]} : vector<2048x1xf32> to vector<128x1xf32>
    %slice3A_1175 = vector.extract_strided_slice %mul3A_239 {offsets = [1536, 0], sizes = [128, 1], strides = [1, 1]} : vector<2048x1xf32> to vector<128x1xf32>
    %slice3A_1176 = vector.extract_strided_slice %min3A_94 {offsets = [0, 1536], sizes = [1, 512], strides = [1, 1]} : vector<1x2048xf32> to vector<1x512xf32>
    %max3A_1177 = vector.broadcast %slice3A_1171 : vector<128x1xf32> to vector<128x512xf32>
    %max3A_1178 = vector.broadcast %slice3A_1176 : vector<1x512xf32> to vector<128x512xf32>
    %max3A_1179 = arith.maximumf %max3A_1177, %max3A_1178 : vector<128x512xf32>
    %slice3A_1180 = vector.extract_strided_slice %min3A_99 {offsets = [0, 1536], sizes = [1, 512], strides = [1, 1]} : vector<1x2048xf32> to vector<1x512xf32>
    %max3A_1181 = vector.broadcast %slice3A_1172 : vector<128x1xf32> to vector<128x512xf32>
    %max3A_1182 = vector.broadcast %slice3A_1180 : vector<1x512xf32> to vector<128x512xf32>
    %max3A_1183 = arith.maximumf %max3A_1181, %max3A_1182 : vector<128x512xf32>
    %slice3A_1184 = vector.extract_strided_slice %min3A_104 {offsets = [0, 1536], sizes = [1, 512], strides = [1, 1]} : vector<1x2048xf32> to vector<1x512xf32>
    %min3A_1185 = vector.broadcast %slice3A_1173 : vector<128x1xf32> to vector<128x512xf32>
    %min3A_1186 = vector.broadcast %slice3A_1184 : vector<1x512xf32> to vector<128x512xf32>
    %min3A_1187 = arith.minimumf %min3A_1185, %min3A_1186 : vector<128x512xf32>
    %slice3A_1188 = vector.extract_strided_slice %min3A_109 {offsets = [0, 1536], sizes = [1, 512], strides = [1, 1]} : vector<1x2048xf32> to vector<1x512xf32>
    %min3A_1189 = vector.broadcast %slice3A_1174 : vector<128x1xf32> to vector<128x512xf32>
    %min3A_1190 = vector.broadcast %slice3A_1188 : vector<1x512xf32> to vector<128x512xf32>
    %min3A_1191 = arith.minimumf %min3A_1189, %min3A_1190 : vector<128x512xf32>
    %sub3A_1192 = arith.subf %min3A_1187, %max3A_1179 : vector<128x512xf32>
    %max3A_1193 = arith.constant 0.000000e+00 : f32
    %max3A_1194 = vector.broadcast %max3A_1193 : f32 to vector<128x512xf32>
    %max3A_1195 = arith.maximumf %sub3A_1192, %max3A_1194 : vector<128x512xf32>
    %sub3A_1196 = arith.subf %min3A_1191, %max3A_1183 : vector<128x512xf32>
    %max3A_1197 = arith.constant 0.000000e+00 : f32
    %max3A_1198 = vector.broadcast %max3A_1197 : f32 to vector<128x512xf32>
    %max3A_1199 = arith.maximumf %sub3A_1196, %max3A_1198 : vector<128x512xf32>
    %mul3A_1200 = arith.mulf %max3A_1195, %max3A_1199 : vector<128x512xf32>
    %slice3A_1201 = vector.extract_strided_slice %mul3A_118 {offsets = [0, 1536], sizes = [1, 512], strides = [1, 1]} : vector<1x2048xf32> to vector<1x512xf32>
    %add3A_1202 = vector.broadcast %slice3A_1175 : vector<128x1xf32> to vector<128x512xf32>
    %add3A_1203 = vector.broadcast %slice3A_1201 : vector<1x512xf32> to vector<128x512xf32>
    %add3A_1204 = arith.addf %add3A_1202, %add3A_1203 : vector<128x512xf32>
    %sub3A_1205 = arith.subf %add3A_1204, %mul3A_1200 : vector<128x512xf32>
    %max3A_1206 = arith.constant 9.99999971E-10 : f32
    %max3A_1207 = vector.broadcast %max3A_1206 : f32 to vector<128x512xf32>
    %max3A_1208 = arith.maximumf %sub3A_1205, %max3A_1207 : vector<128x512xf32>
    %div3A_1209 = arith.divf %mul3A_1200, %max3A_1208 : vector<128x512xf32>
    %gt3A_1210 = arith.constant 0.699999988 : f32
    %gt3A_1211 = vector.broadcast %gt3A_1210 : f32 to vector<128x512xf32>
    %gt3A_1212 = arith.cmpf ogt, %div3A_1209, %gt3A_1211 : vector<128x512xf32>
    %convert_element_type3A_1213 = arith.extui %gt3A_1212 : vector<128x512xi1> to vector<128x512xi32>
    %convert_element_type3A_1214 = arith.sitofp %convert_element_type3A_1213 : vector<128x512xi32> to vector<128x512xf32>
    %slice3A_1215 = vector.extract_strided_slice %convert_element_type3A_1214 {offsets = [0, 0], sizes = [128, 128], strides = [1, 1]} : vector<128x512xf32> to vector<128x128xf32>
    %swap3A_1216 = arith.constant 0 : index
    %swap3A_1217 = arith.constant 0 : index
    %swap3A_1218 = vector.load %arg7[%swap3A_1216, %swap3A_1217] : memref<128x128xf32, #tpu.memory_space<vmem>>, vector<128x128xf32>
    tpu.vector_store %arg7[%swap3A_1216, %swap3A_1217], %slice3A_1215 {strides = array<i32>} : memref<128x128xf32, #tpu.memory_space<vmem>>, vector<128x128xf32>,
    %get3A_1219 = arith.constant 0 : index
    %get3A_1220 = arith.constant 1536 : index
    %get3A_1221 = vector.load %arg8[%get3A_1219, %get3A_1220] : memref<1x2048xf32, #tpu.memory_space<vmem>>, vector<1x128xf32>
    %scan3A_1222 = arith.constant 0 : i32
    %scan3A_1223 = arith.constant 128 : i32
    %scan3A_1224 = arith.addi %scan3A_1222, %scan3A_1223 : i32
    %scan3A_1225 = arith.constant 1 : i32
    %scan3A_1226 = scf.for %scan3A_1489 = %scan3A_1222 to %scan3A_1224 step %scan3A_1225 iter_args(%scan3A_1490 = %get3A_1221) -> (vector<1x128xf32>)  : i32 {
      %eq3A_1491 = vector.broadcast %scan3A_1489 : i32 to vector<1x128xi32>
      %eq3A_1492 = arith.cmpi eq, %iota3A, %eq3A_1491 : vector<1x128xi32>
      %convert_element_type3A_1493 = arith.extui %eq3A_1492 : vector<1x128xi1> to vector<1x128xi32>
      %convert_element_type3A_1494 = arith.sitofp %convert_element_type3A_1493 : vector<1x128xi32> to vector<1x128xf32>
      %mul3A_1495 = arith.mulf %scan3A_1490, %convert_element_type3A_1494 : vector<1x128xf32>
      %reduce_sum3A = vector.shape_cast %mul3A_1495 : vector<1x128xf32> to vector<1x1x128xf32>
      %reduce_sum3A_1496 = arith.constant dense<0.000000e+00> : vector<1xf32>
      %reduce_sum3A_1497 = vector.multi_reduction <add>, %reduce_sum3A, %reduce_sum3A_1496 [1, 2] : vector<1x1x128xf32> to vector<1xf32>
      %reduce_sum3A_1498 = vector.shape_cast %reduce_sum3A_1497 : vector<1xf32> to vector<1x1x1xf32>
      %reduce_sum3A_1499 = vector.extract %reduce_sum3A_1498[0, 0, 0] : f32 from vector<1x1x1xf32>
      %sub3A_1500 = arith.constant 1.000000e+00 : f32
      %sub3A_1501 = arith.subf %sub3A_1500, %reduce_sum3A_1499 : f32
      %get3A_1502 = arith.index_cast %scan3A_1489 : i32 to index
      %get3A_1503 = arith.constant 0 : index
      %get3A_1504 = vector.load %arg7[%get3A_1502, %get3A_1503] : memref<128x128xf32, #tpu.memory_space<vmem>>, vector<1x128xf32>
      %mul3A_1505 = vector.broadcast %sub3A_1501 : f32 to vector<1x128xf32>
      %mul3A_1506 = arith.mulf %mul3A_1505, %get3A_1504 : vector<1x128xf32>
      %gt3A_1507 = vector.broadcast %scan3A_1489 : i32 to vector<1x128xi32>
      %gt3A_1508 = arith.cmpi sgt, %iota3A, %gt3A_1507 : vector<1x128xi32>
      %convert_element_type3A_1509 = arith.extui %gt3A_1508 : vector<1x128xi1> to vector<1x128xi32>
      %convert_element_type3A_1510 = arith.sitofp %convert_element_type3A_1509 : vector<1x128xi32> to vector<1x128xf32>
      %mul3A_1511 = arith.mulf %mul3A_1506, %convert_element_type3A_1510 : vector<1x128xf32>
      %max3A_1512 = arith.maximumf %scan3A_1490, %mul3A_1511 : vector<1x128xf32>
      scf.yield %max3A_1512 : vector<1x128xf32>
    }
    %scan3A_1227 = arith.constant 128 : i32
    %swap3A_1228 = arith.constant 0 : index
    %swap3A_1229 = arith.constant 1536 : index
    %swap3A_1230 = vector.load %arg8[%swap3A_1228, %swap3A_1229] : memref<1x2048xf32, #tpu.memory_space<vmem>>, vector<1x128xf32>
    tpu.vector_store %arg8[%swap3A_1228, %swap3A_1229], %scan3A_1226 {strides = array<i32>} : memref<1x2048xf32, #tpu.memory_space<vmem>>, vector<1x128xf32>,
    %sub3A_1231 = arith.constant 1.000000e+00 : f32
    %sub3A_1232 = vector.broadcast %sub3A_1231 : f32 to vector<1x128xf32>
    %sub3A_1233 = arith.subf %sub3A_1232, %scan3A_1226 : vector<1x128xf32>
    %slice3A_1234 = vector.extract_strided_slice %convert_element_type3A_1214 {offsets = [0, 128], sizes = [128, 384], strides = [1, 1]} : vector<128x512xf32> to vector<128x384xf32>
    %dot_general3A_1235 = arith.constant dense<0.000000e+00> : vector<1x384xf32>
    %dot_general3A_1236 = tpu.matmul %sub3A_1233, %slice3A_1234, %dot_general3A_1235 {dimension_numbers = #tpu.dot_dimension_numbers<[1], [0], [0], [1], [0, 0, 1, 1], [], []>, transpose_lhs_hint = false} : vector<1x128xf32>, vector<128x384xf32>, vector<1x384xf32> -> vector<1x384xf32>
    %get3A_1237 = arith.constant 0 : index
    %get3A_1238 = arith.constant 1664 : index
    %get3A_1239 = vector.load %arg8[%get3A_1237, %get3A_1238] : memref<1x2048xf32, #tpu.memory_space<vmem>>, vector<1x384xf32>
    %gt3A_1240 = arith.constant 5.000000e-01 : f32
    %gt3A_1241 = vector.broadcast %gt3A_1240 : f32 to vector<1x384xf32>
    %gt3A_1242 = arith.cmpf ogt, %dot_general3A_1236, %gt3A_1241 : vector<1x384xf32>
    %convert_element_type3A_1243 = arith.extui %gt3A_1242 : vector<1x384xi1> to vector<1x384xi32>
    %convert_element_type3A_1244 = arith.sitofp %convert_element_type3A_1243 : vector<1x384xi32> to vector<1x384xf32>
    %max3A_1245 = arith.maximumf %get3A_1239, %convert_element_type3A_1244 : vector<1x384xf32>
    %swap3A_1246 = arith.constant 0 : index
    %swap3A_1247 = arith.constant 1664 : index
    %swap3A_1248 = vector.load %arg8[%swap3A_1246, %swap3A_1247] : memref<1x2048xf32, #tpu.memory_space<vmem>>, vector<1x384xf32>
    tpu.vector_store %arg8[%swap3A_1246, %swap3A_1247], %max3A_1245 {strides = array<i32>} : memref<1x2048xf32, #tpu.memory_space<vmem>>, vector<1x384xf32>,
    %slice3A_1249 = vector.extract_strided_slice %min3A_215 {offsets = [1664, 0], sizes = [128, 1], strides = [1, 1]} : vector<2048x1xf32> to vector<128x1xf32>
    %slice3A_1250 = vector.extract_strided_slice %min3A_220 {offsets = [1664, 0], sizes = [128, 1], strides = [1, 1]} : vector<2048x1xf32> to vector<128x1xf32>
    %slice3A_1251 = vector.extract_strided_slice %min3A_225 {offsets = [1664, 0], sizes = [128, 1], strides = [1, 1]} : vector<2048x1xf32> to vector<128x1xf32>
    %slice3A_1252 = vector.extract_strided_slice %min3A_230 {offsets = [1664, 0], sizes = [128, 1], strides = [1, 1]} : vector<2048x1xf32> to vector<128x1xf32>
    %slice3A_1253 = vector.extract_strided_slice %mul3A_239 {offsets = [1664, 0], sizes = [128, 1], strides = [1, 1]} : vector<2048x1xf32> to vector<128x1xf32>
    %slice3A_1254 = vector.extract_strided_slice %min3A_94 {offsets = [0, 1664], sizes = [1, 384], strides = [1, 1]} : vector<1x2048xf32> to vector<1x384xf32>
    %max3A_1255 = vector.broadcast %slice3A_1249 : vector<128x1xf32> to vector<128x384xf32>
    %max3A_1256 = vector.broadcast %slice3A_1254 : vector<1x384xf32> to vector<128x384xf32>
    %max3A_1257 = arith.maximumf %max3A_1255, %max3A_1256 : vector<128x384xf32>
    %slice3A_1258 = vector.extract_strided_slice %min3A_99 {offsets = [0, 1664], sizes = [1, 384], strides = [1, 1]} : vector<1x2048xf32> to vector<1x384xf32>
    %max3A_1259 = vector.broadcast %slice3A_1250 : vector<128x1xf32> to vector<128x384xf32>
    %max3A_1260 = vector.broadcast %slice3A_1258 : vector<1x384xf32> to vector<128x384xf32>
    %max3A_1261 = arith.maximumf %max3A_1259, %max3A_1260 : vector<128x384xf32>
    %slice3A_1262 = vector.extract_strided_slice %min3A_104 {offsets = [0, 1664], sizes = [1, 384], strides = [1, 1]} : vector<1x2048xf32> to vector<1x384xf32>
    %min3A_1263 = vector.broadcast %slice3A_1251 : vector<128x1xf32> to vector<128x384xf32>
    %min3A_1264 = vector.broadcast %slice3A_1262 : vector<1x384xf32> to vector<128x384xf32>
    %min3A_1265 = arith.minimumf %min3A_1263, %min3A_1264 : vector<128x384xf32>
    %slice3A_1266 = vector.extract_strided_slice %min3A_109 {offsets = [0, 1664], sizes = [1, 384], strides = [1, 1]} : vector<1x2048xf32> to vector<1x384xf32>
    %min3A_1267 = vector.broadcast %slice3A_1252 : vector<128x1xf32> to vector<128x384xf32>
    %min3A_1268 = vector.broadcast %slice3A_1266 : vector<1x384xf32> to vector<128x384xf32>
    %min3A_1269 = arith.minimumf %min3A_1267, %min3A_1268 : vector<128x384xf32>
    %sub3A_1270 = arith.subf %min3A_1265, %max3A_1257 : vector<128x384xf32>
    %max3A_1271 = arith.constant 0.000000e+00 : f32
    %max3A_1272 = vector.broadcast %max3A_1271 : f32 to vector<128x384xf32>
    %max3A_1273 = arith.maximumf %sub3A_1270, %max3A_1272 : vector<128x384xf32>
    %sub3A_1274 = arith.subf %min3A_1269, %max3A_1261 : vector<128x384xf32>
    %max3A_1275 = arith.constant 0.000000e+00 : f32
    %max3A_1276 = vector.broadcast %max3A_1275 : f32 to vector<128x384xf32>
    %max3A_1277 = arith.maximumf %sub3A_1274, %max3A_1276 : vector<128x384xf32>
    %mul3A_1278 = arith.mulf %max3A_1273, %max3A_1277 : vector<128x384xf32>
    %slice3A_1279 = vector.extract_strided_slice %mul3A_118 {offsets = [0, 1664], sizes = [1, 384], strides = [1, 1]} : vector<1x2048xf32> to vector<1x384xf32>
    %add3A_1280 = vector.broadcast %slice3A_1253 : vector<128x1xf32> to vector<128x384xf32>
    %add3A_1281 = vector.broadcast %slice3A_1279 : vector<1x384xf32> to vector<128x384xf32>
    %add3A_1282 = arith.addf %add3A_1280, %add3A_1281 : vector<128x384xf32>
    %sub3A_1283 = arith.subf %add3A_1282, %mul3A_1278 : vector<128x384xf32>
    %max3A_1284 = arith.constant 9.99999971E-10 : f32
    %max3A_1285 = vector.broadcast %max3A_1284 : f32 to vector<128x384xf32>
    %max3A_1286 = arith.maximumf %sub3A_1283, %max3A_1285 : vector<128x384xf32>
    %div3A_1287 = arith.divf %mul3A_1278, %max3A_1286 : vector<128x384xf32>
    %gt3A_1288 = arith.constant 0.699999988 : f32
    %gt3A_1289 = vector.broadcast %gt3A_1288 : f32 to vector<128x384xf32>
    %gt3A_1290 = arith.cmpf ogt, %div3A_1287, %gt3A_1289 : vector<128x384xf32>
    %convert_element_type3A_1291 = arith.extui %gt3A_1290 : vector<128x384xi1> to vector<128x384xi32>
    %convert_element_type3A_1292 = arith.sitofp %convert_element_type3A_1291 : vector<128x384xi32> to vector<128x384xf32>
    %slice3A_1293 = vector.extract_strided_slice %convert_element_type3A_1292 {offsets = [0, 0], sizes = [128, 128], strides = [1, 1]} : vector<128x384xf32> to vector<128x128xf32>
    %swap3A_1294 = arith.constant 0 : index
    %swap3A_1295 = arith.constant 0 : index
    %swap3A_1296 = vector.load %arg7[%swap3A_1294, %swap3A_1295] : memref<128x128xf32, #tpu.memory_space<vmem>>, vector<128x128xf32>
    tpu.vector_store %arg7[%swap3A_1294, %swap3A_1295], %slice3A_1293 {strides = array<i32>} : memref<128x128xf32, #tpu.memory_space<vmem>>, vector<128x128xf32>,
    %get3A_1297 = arith.constant 0 : index
    %get3A_1298 = arith.constant 1664 : index
    %get3A_1299 = vector.load %arg8[%get3A_1297, %get3A_1298] : memref<1x2048xf32, #tpu.memory_space<vmem>>, vector<1x128xf32>
    %scan3A_1300 = arith.constant 0 : i32
    %scan3A_1301 = arith.constant 128 : i32
    %scan3A_1302 = arith.addi %scan3A_1300, %scan3A_1301 : i32
    %scan3A_1303 = arith.constant 1 : i32
    %scan3A_1304 = scf.for %scan3A_1489 = %scan3A_1300 to %scan3A_1302 step %scan3A_1303 iter_args(%scan3A_1490 = %get3A_1299) -> (vector<1x128xf32>)  : i32 {
      %eq3A_1491 = vector.broadcast %scan3A_1489 : i32 to vector<1x128xi32>
      %eq3A_1492 = arith.cmpi eq, %iota3A, %eq3A_1491 : vector<1x128xi32>
      %convert_element_type3A_1493 = arith.extui %eq3A_1492 : vector<1x128xi1> to vector<1x128xi32>
      %convert_element_type3A_1494 = arith.sitofp %convert_element_type3A_1493 : vector<1x128xi32> to vector<1x128xf32>
      %mul3A_1495 = arith.mulf %scan3A_1490, %convert_element_type3A_1494 : vector<1x128xf32>
      %reduce_sum3A = vector.shape_cast %mul3A_1495 : vector<1x128xf32> to vector<1x1x128xf32>
      %reduce_sum3A_1496 = arith.constant dense<0.000000e+00> : vector<1xf32>
      %reduce_sum3A_1497 = vector.multi_reduction <add>, %reduce_sum3A, %reduce_sum3A_1496 [1, 2] : vector<1x1x128xf32> to vector<1xf32>
      %reduce_sum3A_1498 = vector.shape_cast %reduce_sum3A_1497 : vector<1xf32> to vector<1x1x1xf32>
      %reduce_sum3A_1499 = vector.extract %reduce_sum3A_1498[0, 0, 0] : f32 from vector<1x1x1xf32>
      %sub3A_1500 = arith.constant 1.000000e+00 : f32
      %sub3A_1501 = arith.subf %sub3A_1500, %reduce_sum3A_1499 : f32
      %get3A_1502 = arith.index_cast %scan3A_1489 : i32 to index
      %get3A_1503 = arith.constant 0 : index
      %get3A_1504 = vector.load %arg7[%get3A_1502, %get3A_1503] : memref<128x128xf32, #tpu.memory_space<vmem>>, vector<1x128xf32>
      %mul3A_1505 = vector.broadcast %sub3A_1501 : f32 to vector<1x128xf32>
      %mul3A_1506 = arith.mulf %mul3A_1505, %get3A_1504 : vector<1x128xf32>
      %gt3A_1507 = vector.broadcast %scan3A_1489 : i32 to vector<1x128xi32>
      %gt3A_1508 = arith.cmpi sgt, %iota3A, %gt3A_1507 : vector<1x128xi32>
      %convert_element_type3A_1509 = arith.extui %gt3A_1508 : vector<1x128xi1> to vector<1x128xi32>
      %convert_element_type3A_1510 = arith.sitofp %convert_element_type3A_1509 : vector<1x128xi32> to vector<1x128xf32>
      %mul3A_1511 = arith.mulf %mul3A_1506, %convert_element_type3A_1510 : vector<1x128xf32>
      %max3A_1512 = arith.maximumf %scan3A_1490, %mul3A_1511 : vector<1x128xf32>
      scf.yield %max3A_1512 : vector<1x128xf32>
    }
    %scan3A_1305 = arith.constant 128 : i32
    %swap3A_1306 = arith.constant 0 : index
    %swap3A_1307 = arith.constant 1664 : index
    %swap3A_1308 = vector.load %arg8[%swap3A_1306, %swap3A_1307] : memref<1x2048xf32, #tpu.memory_space<vmem>>, vector<1x128xf32>
    tpu.vector_store %arg8[%swap3A_1306, %swap3A_1307], %scan3A_1304 {strides = array<i32>} : memref<1x2048xf32, #tpu.memory_space<vmem>>, vector<1x128xf32>,
    %sub3A_1309 = arith.constant 1.000000e+00 : f32
    %sub3A_1310 = vector.broadcast %sub3A_1309 : f32 to vector<1x128xf32>
    %sub3A_1311 = arith.subf %sub3A_1310, %scan3A_1304 : vector<1x128xf32>
    %slice3A_1312 = vector.extract_strided_slice %convert_element_type3A_1292 {offsets = [0, 128], sizes = [128, 256], strides = [1, 1]} : vector<128x384xf32> to vector<128x256xf32>
    %dot_general3A_1313 = arith.constant dense<0.000000e+00> : vector<1x256xf32>
    %dot_general3A_1314 = tpu.matmul %sub3A_1311, %slice3A_1312, %dot_general3A_1313 {dimension_numbers = #tpu.dot_dimension_numbers<[1], [0], [0], [1], [0, 0, 1, 1], [], []>, transpose_lhs_hint = false} : vector<1x128xf32>, vector<128x256xf32>, vector<1x256xf32> -> vector<1x256xf32>
    %get3A_1315 = arith.constant 0 : index
    %get3A_1316 = arith.constant 1792 : index
    %get3A_1317 = vector.load %arg8[%get3A_1315, %get3A_1316] : memref<1x2048xf32, #tpu.memory_space<vmem>>, vector<1x256xf32>
    %gt3A_1318 = arith.constant 5.000000e-01 : f32
    %gt3A_1319 = vector.broadcast %gt3A_1318 : f32 to vector<1x256xf32>
    %gt3A_1320 = arith.cmpf ogt, %dot_general3A_1314, %gt3A_1319 : vector<1x256xf32>
    %convert_element_type3A_1321 = arith.extui %gt3A_1320 : vector<1x256xi1> to vector<1x256xi32>
    %convert_element_type3A_1322 = arith.sitofp %convert_element_type3A_1321 : vector<1x256xi32> to vector<1x256xf32>
    %max3A_1323 = arith.maximumf %get3A_1317, %convert_element_type3A_1322 : vector<1x256xf32>
    %swap3A_1324 = arith.constant 0 : index
    %swap3A_1325 = arith.constant 1792 : index
    %swap3A_1326 = vector.load %arg8[%swap3A_1324, %swap3A_1325] : memref<1x2048xf32, #tpu.memory_space<vmem>>, vector<1x256xf32>
    tpu.vector_store %arg8[%swap3A_1324, %swap3A_1325], %max3A_1323 {strides = array<i32>} : memref<1x2048xf32, #tpu.memory_space<vmem>>, vector<1x256xf32>,
    %slice3A_1327 = vector.extract_strided_slice %min3A_215 {offsets = [1792, 0], sizes = [128, 1], strides = [1, 1]} : vector<2048x1xf32> to vector<128x1xf32>
    %slice3A_1328 = vector.extract_strided_slice %min3A_220 {offsets = [1792, 0], sizes = [128, 1], strides = [1, 1]} : vector<2048x1xf32> to vector<128x1xf32>
    %slice3A_1329 = vector.extract_strided_slice %min3A_225 {offsets = [1792, 0], sizes = [128, 1], strides = [1, 1]} : vector<2048x1xf32> to vector<128x1xf32>
    %slice3A_1330 = vector.extract_strided_slice %min3A_230 {offsets = [1792, 0], sizes = [128, 1], strides = [1, 1]} : vector<2048x1xf32> to vector<128x1xf32>
    %slice3A_1331 = vector.extract_strided_slice %mul3A_239 {offsets = [1792, 0], sizes = [128, 1], strides = [1, 1]} : vector<2048x1xf32> to vector<128x1xf32>
    %slice3A_1332 = vector.extract_strided_slice %min3A_94 {offsets = [0, 1792], sizes = [1, 256], strides = [1, 1]} : vector<1x2048xf32> to vector<1x256xf32>
    %max3A_1333 = vector.broadcast %slice3A_1327 : vector<128x1xf32> to vector<128x256xf32>
    %max3A_1334 = vector.broadcast %slice3A_1332 : vector<1x256xf32> to vector<128x256xf32>
    %max3A_1335 = arith.maximumf %max3A_1333, %max3A_1334 : vector<128x256xf32>
    %slice3A_1336 = vector.extract_strided_slice %min3A_99 {offsets = [0, 1792], sizes = [1, 256], strides = [1, 1]} : vector<1x2048xf32> to vector<1x256xf32>
    %max3A_1337 = vector.broadcast %slice3A_1328 : vector<128x1xf32> to vector<128x256xf32>
    %max3A_1338 = vector.broadcast %slice3A_1336 : vector<1x256xf32> to vector<128x256xf32>
    %max3A_1339 = arith.maximumf %max3A_1337, %max3A_1338 : vector<128x256xf32>
    %slice3A_1340 = vector.extract_strided_slice %min3A_104 {offsets = [0, 1792], sizes = [1, 256], strides = [1, 1]} : vector<1x2048xf32> to vector<1x256xf32>
    %min3A_1341 = vector.broadcast %slice3A_1329 : vector<128x1xf32> to vector<128x256xf32>
    %min3A_1342 = vector.broadcast %slice3A_1340 : vector<1x256xf32> to vector<128x256xf32>
    %min3A_1343 = arith.minimumf %min3A_1341, %min3A_1342 : vector<128x256xf32>
    %slice3A_1344 = vector.extract_strided_slice %min3A_109 {offsets = [0, 1792], sizes = [1, 256], strides = [1, 1]} : vector<1x2048xf32> to vector<1x256xf32>
    %min3A_1345 = vector.broadcast %slice3A_1330 : vector<128x1xf32> to vector<128x256xf32>
    %min3A_1346 = vector.broadcast %slice3A_1344 : vector<1x256xf32> to vector<128x256xf32>
    %min3A_1347 = arith.minimumf %min3A_1345, %min3A_1346 : vector<128x256xf32>
    %sub3A_1348 = arith.subf %min3A_1343, %max3A_1335 : vector<128x256xf32>
    %max3A_1349 = arith.constant 0.000000e+00 : f32
    %max3A_1350 = vector.broadcast %max3A_1349 : f32 to vector<128x256xf32>
    %max3A_1351 = arith.maximumf %sub3A_1348, %max3A_1350 : vector<128x256xf32>
    %sub3A_1352 = arith.subf %min3A_1347, %max3A_1339 : vector<128x256xf32>
    %max3A_1353 = arith.constant 0.000000e+00 : f32
    %max3A_1354 = vector.broadcast %max3A_1353 : f32 to vector<128x256xf32>
    %max3A_1355 = arith.maximumf %sub3A_1352, %max3A_1354 : vector<128x256xf32>
    %mul3A_1356 = arith.mulf %max3A_1351, %max3A_1355 : vector<128x256xf32>
    %slice3A_1357 = vector.extract_strided_slice %mul3A_118 {offsets = [0, 1792], sizes = [1, 256], strides = [1, 1]} : vector<1x2048xf32> to vector<1x256xf32>
    %add3A_1358 = vector.broadcast %slice3A_1331 : vector<128x1xf32> to vector<128x256xf32>
    %add3A_1359 = vector.broadcast %slice3A_1357 : vector<1x256xf32> to vector<128x256xf32>
    %add3A_1360 = arith.addf %add3A_1358, %add3A_1359 : vector<128x256xf32>
    %sub3A_1361 = arith.subf %add3A_1360, %mul3A_1356 : vector<128x256xf32>
    %max3A_1362 = arith.constant 9.99999971E-10 : f32
    %max3A_1363 = vector.broadcast %max3A_1362 : f32 to vector<128x256xf32>
    %max3A_1364 = arith.maximumf %sub3A_1361, %max3A_1363 : vector<128x256xf32>
    %div3A_1365 = arith.divf %mul3A_1356, %max3A_1364 : vector<128x256xf32>
    %gt3A_1366 = arith.constant 0.699999988 : f32
    %gt3A_1367 = vector.broadcast %gt3A_1366 : f32 to vector<128x256xf32>
    %gt3A_1368 = arith.cmpf ogt, %div3A_1365, %gt3A_1367 : vector<128x256xf32>
    %convert_element_type3A_1369 = arith.extui %gt3A_1368 : vector<128x256xi1> to vector<128x256xi32>
    %convert_element_type3A_1370 = arith.sitofp %convert_element_type3A_1369 : vector<128x256xi32> to vector<128x256xf32>
    %slice3A_1371 = vector.extract_strided_slice %convert_element_type3A_1370 {offsets = [0, 0], sizes = [128, 128], strides = [1, 1]} : vector<128x256xf32> to vector<128x128xf32>
    %swap3A_1372 = arith.constant 0 : index
    %swap3A_1373 = arith.constant 0 : index
    %swap3A_1374 = vector.load %arg7[%swap3A_1372, %swap3A_1373] : memref<128x128xf32, #tpu.memory_space<vmem>>, vector<128x128xf32>
    tpu.vector_store %arg7[%swap3A_1372, %swap3A_1373], %slice3A_1371 {strides = array<i32>} : memref<128x128xf32, #tpu.memory_space<vmem>>, vector<128x128xf32>,
    %get3A_1375 = arith.constant 0 : index
    %get3A_1376 = arith.constant 1792 : index
    %get3A_1377 = vector.load %arg8[%get3A_1375, %get3A_1376] : memref<1x2048xf32, #tpu.memory_space<vmem>>, vector<1x128xf32>
    %scan3A_1378 = arith.constant 0 : i32
    %scan3A_1379 = arith.constant 128 : i32
    %scan3A_1380 = arith.addi %scan3A_1378, %scan3A_1379 : i32
    %scan3A_1381 = arith.constant 1 : i32
    %scan3A_1382 = scf.for %scan3A_1489 = %scan3A_1378 to %scan3A_1380 step %scan3A_1381 iter_args(%scan3A_1490 = %get3A_1377) -> (vector<1x128xf32>)  : i32 {
      %eq3A_1491 = vector.broadcast %scan3A_1489 : i32 to vector<1x128xi32>
      %eq3A_1492 = arith.cmpi eq, %iota3A, %eq3A_1491 : vector<1x128xi32>
      %convert_element_type3A_1493 = arith.extui %eq3A_1492 : vector<1x128xi1> to vector<1x128xi32>
      %convert_element_type3A_1494 = arith.sitofp %convert_element_type3A_1493 : vector<1x128xi32> to vector<1x128xf32>
      %mul3A_1495 = arith.mulf %scan3A_1490, %convert_element_type3A_1494 : vector<1x128xf32>
      %reduce_sum3A = vector.shape_cast %mul3A_1495 : vector<1x128xf32> to vector<1x1x128xf32>
      %reduce_sum3A_1496 = arith.constant dense<0.000000e+00> : vector<1xf32>
      %reduce_sum3A_1497 = vector.multi_reduction <add>, %reduce_sum3A, %reduce_sum3A_1496 [1, 2] : vector<1x1x128xf32> to vector<1xf32>
      %reduce_sum3A_1498 = vector.shape_cast %reduce_sum3A_1497 : vector<1xf32> to vector<1x1x1xf32>
      %reduce_sum3A_1499 = vector.extract %reduce_sum3A_1498[0, 0, 0] : f32 from vector<1x1x1xf32>
      %sub3A_1500 = arith.constant 1.000000e+00 : f32
      %sub3A_1501 = arith.subf %sub3A_1500, %reduce_sum3A_1499 : f32
      %get3A_1502 = arith.index_cast %scan3A_1489 : i32 to index
      %get3A_1503 = arith.constant 0 : index
      %get3A_1504 = vector.load %arg7[%get3A_1502, %get3A_1503] : memref<128x128xf32, #tpu.memory_space<vmem>>, vector<1x128xf32>
      %mul3A_1505 = vector.broadcast %sub3A_1501 : f32 to vector<1x128xf32>
      %mul3A_1506 = arith.mulf %mul3A_1505, %get3A_1504 : vector<1x128xf32>
      %gt3A_1507 = vector.broadcast %scan3A_1489 : i32 to vector<1x128xi32>
      %gt3A_1508 = arith.cmpi sgt, %iota3A, %gt3A_1507 : vector<1x128xi32>
      %convert_element_type3A_1509 = arith.extui %gt3A_1508 : vector<1x128xi1> to vector<1x128xi32>
      %convert_element_type3A_1510 = arith.sitofp %convert_element_type3A_1509 : vector<1x128xi32> to vector<1x128xf32>
      %mul3A_1511 = arith.mulf %mul3A_1506, %convert_element_type3A_1510 : vector<1x128xf32>
      %max3A_1512 = arith.maximumf %scan3A_1490, %mul3A_1511 : vector<1x128xf32>
      scf.yield %max3A_1512 : vector<1x128xf32>
    }
    %scan3A_1383 = arith.constant 128 : i32
    %swap3A_1384 = arith.constant 0 : index
    %swap3A_1385 = arith.constant 1792 : index
    %swap3A_1386 = vector.load %arg8[%swap3A_1384, %swap3A_1385] : memref<1x2048xf32, #tpu.memory_space<vmem>>, vector<1x128xf32>
    tpu.vector_store %arg8[%swap3A_1384, %swap3A_1385], %scan3A_1382 {strides = array<i32>} : memref<1x2048xf32, #tpu.memory_space<vmem>>, vector<1x128xf32>,
    %sub3A_1387 = arith.constant 1.000000e+00 : f32
    %sub3A_1388 = vector.broadcast %sub3A_1387 : f32 to vector<1x128xf32>
    %sub3A_1389 = arith.subf %sub3A_1388, %scan3A_1382 : vector<1x128xf32>
    %slice3A_1390 = vector.extract_strided_slice %convert_element_type3A_1370 {offsets = [0, 128], sizes = [128, 128], strides = [1, 1]} : vector<128x256xf32> to vector<128x128xf32>
    %dot_general3A_1391 = arith.constant dense<0.000000e+00> : vector<1x128xf32>
    %dot_general3A_1392 = tpu.matmul %sub3A_1389, %slice3A_1390, %dot_general3A_1391 {dimension_numbers = #tpu.dot_dimension_numbers<[1], [0], [0], [1], [0, 0, 1, 1], [], []>, transpose_lhs_hint = false} : vector<1x128xf32>, vector<128x128xf32>, vector<1x128xf32> -> vector<1x128xf32>
    %get3A_1393 = arith.constant 0 : index
    %get3A_1394 = arith.constant 1920 : index
    %get3A_1395 = vector.load %arg8[%get3A_1393, %get3A_1394] : memref<1x2048xf32, #tpu.memory_space<vmem>>, vector<1x128xf32>
    %gt3A_1396 = arith.constant 5.000000e-01 : f32
    %gt3A_1397 = vector.broadcast %gt3A_1396 : f32 to vector<1x128xf32>
    %gt3A_1398 = arith.cmpf ogt, %dot_general3A_1392, %gt3A_1397 : vector<1x128xf32>
    %convert_element_type3A_1399 = arith.extui %gt3A_1398 : vector<1x128xi1> to vector<1x128xi32>
    %convert_element_type3A_1400 = arith.sitofp %convert_element_type3A_1399 : vector<1x128xi32> to vector<1x128xf32>
    %max3A_1401 = arith.maximumf %get3A_1395, %convert_element_type3A_1400 : vector<1x128xf32>
    %swap3A_1402 = arith.constant 0 : index
    %swap3A_1403 = arith.constant 1920 : index
    %swap3A_1404 = vector.load %arg8[%swap3A_1402, %swap3A_1403] : memref<1x2048xf32, #tpu.memory_space<vmem>>, vector<1x128xf32>
    tpu.vector_store %arg8[%swap3A_1402, %swap3A_1403], %max3A_1401 {strides = array<i32>} : memref<1x2048xf32, #tpu.memory_space<vmem>>, vector<1x128xf32>,
    %slice3A_1405 = vector.extract_strided_slice %min3A_215 {offsets = [1920, 0], sizes = [128, 1], strides = [1, 1]} : vector<2048x1xf32> to vector<128x1xf32>
    %slice3A_1406 = vector.extract_strided_slice %min3A_220 {offsets = [1920, 0], sizes = [128, 1], strides = [1, 1]} : vector<2048x1xf32> to vector<128x1xf32>
    %slice3A_1407 = vector.extract_strided_slice %min3A_225 {offsets = [1920, 0], sizes = [128, 1], strides = [1, 1]} : vector<2048x1xf32> to vector<128x1xf32>
    %slice3A_1408 = vector.extract_strided_slice %min3A_230 {offsets = [1920, 0], sizes = [128, 1], strides = [1, 1]} : vector<2048x1xf32> to vector<128x1xf32>
    %slice3A_1409 = vector.extract_strided_slice %mul3A_239 {offsets = [1920, 0], sizes = [128, 1], strides = [1, 1]} : vector<2048x1xf32> to vector<128x1xf32>
    %slice3A_1410 = vector.extract_strided_slice %min3A_94 {offsets = [0, 1920], sizes = [1, 128], strides = [1, 1]} : vector<1x2048xf32> to vector<1x128xf32>
    %max3A_1411 = vector.broadcast %slice3A_1405 : vector<128x1xf32> to vector<128x128xf32>
    %max3A_1412 = vector.broadcast %slice3A_1410 : vector<1x128xf32> to vector<128x128xf32>
    %max3A_1413 = arith.maximumf %max3A_1411, %max3A_1412 : vector<128x128xf32>
    %slice3A_1414 = vector.extract_strided_slice %min3A_99 {offsets = [0, 1920], sizes = [1, 128], strides = [1, 1]} : vector<1x2048xf32> to vector<1x128xf32>
    %max3A_1415 = vector.broadcast %slice3A_1406 : vector<128x1xf32> to vector<128x128xf32>
    %max3A_1416 = vector.broadcast %slice3A_1414 : vector<1x128xf32> to vector<128x128xf32>
    %max3A_1417 = arith.maximumf %max3A_1415, %max3A_1416 : vector<128x128xf32>
    %slice3A_1418 = vector.extract_strided_slice %min3A_104 {offsets = [0, 1920], sizes = [1, 128], strides = [1, 1]} : vector<1x2048xf32> to vector<1x128xf32>
    %min3A_1419 = vector.broadcast %slice3A_1407 : vector<128x1xf32> to vector<128x128xf32>
    %min3A_1420 = vector.broadcast %slice3A_1418 : vector<1x128xf32> to vector<128x128xf32>
    %min3A_1421 = arith.minimumf %min3A_1419, %min3A_1420 : vector<128x128xf32>
    %slice3A_1422 = vector.extract_strided_slice %min3A_109 {offsets = [0, 1920], sizes = [1, 128], strides = [1, 1]} : vector<1x2048xf32> to vector<1x128xf32>
    %min3A_1423 = vector.broadcast %slice3A_1408 : vector<128x1xf32> to vector<128x128xf32>
    %min3A_1424 = vector.broadcast %slice3A_1422 : vector<1x128xf32> to vector<128x128xf32>
    %min3A_1425 = arith.minimumf %min3A_1423, %min3A_1424 : vector<128x128xf32>
    %sub3A_1426 = arith.subf %min3A_1421, %max3A_1413 : vector<128x128xf32>
    %max3A_1427 = arith.constant 0.000000e+00 : f32
    %max3A_1428 = vector.broadcast %max3A_1427 : f32 to vector<128x128xf32>
    %max3A_1429 = arith.maximumf %sub3A_1426, %max3A_1428 : vector<128x128xf32>
    %sub3A_1430 = arith.subf %min3A_1425, %max3A_1417 : vector<128x128xf32>
    %max3A_1431 = arith.constant 0.000000e+00 : f32
    %max3A_1432 = vector.broadcast %max3A_1431 : f32 to vector<128x128xf32>
    %max3A_1433 = arith.maximumf %sub3A_1430, %max3A_1432 : vector<128x128xf32>
    %mul3A_1434 = arith.mulf %max3A_1429, %max3A_1433 : vector<128x128xf32>
    %slice3A_1435 = vector.extract_strided_slice %mul3A_118 {offsets = [0, 1920], sizes = [1, 128], strides = [1, 1]} : vector<1x2048xf32> to vector<1x128xf32>
    %add3A_1436 = vector.broadcast %slice3A_1409 : vector<128x1xf32> to vector<128x128xf32>
    %add3A_1437 = vector.broadcast %slice3A_1435 : vector<1x128xf32> to vector<128x128xf32>
    %add3A_1438 = arith.addf %add3A_1436, %add3A_1437 : vector<128x128xf32>
    %sub3A_1439 = arith.subf %add3A_1438, %mul3A_1434 : vector<128x128xf32>
    %max3A_1440 = arith.constant 9.99999971E-10 : f32
    %max3A_1441 = vector.broadcast %max3A_1440 : f32 to vector<128x128xf32>
    %max3A_1442 = arith.maximumf %sub3A_1439, %max3A_1441 : vector<128x128xf32>
    %div3A_1443 = arith.divf %mul3A_1434, %max3A_1442 : vector<128x128xf32>
    %gt3A_1444 = arith.constant 0.699999988 : f32
    %gt3A_1445 = vector.broadcast %gt3A_1444 : f32 to vector<128x128xf32>
    %gt3A_1446 = arith.cmpf ogt, %div3A_1443, %gt3A_1445 : vector<128x128xf32>
    %convert_element_type3A_1447 = arith.extui %gt3A_1446 : vector<128x128xi1> to vector<128x128xi32>
    %convert_element_type3A_1448 = arith.sitofp %convert_element_type3A_1447 : vector<128x128xi32> to vector<128x128xf32>
    %swap3A_1449 = arith.constant 0 : index
    %swap3A_1450 = arith.constant 0 : index
    %swap3A_1451 = vector.load %arg7[%swap3A_1449, %swap3A_1450] : memref<128x128xf32, #tpu.memory_space<vmem>>, vector<128x128xf32>
    tpu.vector_store %arg7[%swap3A_1449, %swap3A_1450], %convert_element_type3A_1448 {strides = array<i32>} : memref<128x128xf32, #tpu.memory_space<vmem>>, vector<128x128xf32>,
    %get3A_1452 = arith.constant 0 : index
    %get3A_1453 = arith.constant 1920 : index
    %get3A_1454 = vector.load %arg8[%get3A_1452, %get3A_1453] : memref<1x2048xf32, #tpu.memory_space<vmem>>, vector<1x128xf32>
    %scan3A_1455 = arith.constant 0 : i32
    %scan3A_1456 = arith.constant 128 : i32
    %scan3A_1457 = arith.addi %scan3A_1455, %scan3A_1456 : i32
    %scan3A_1458 = arith.constant 1 : i32
    %scan3A_1459 = scf.for %scan3A_1489 = %scan3A_1455 to %scan3A_1457 step %scan3A_1458 iter_args(%scan3A_1490 = %get3A_1454) -> (vector<1x128xf32>)  : i32 {
      %eq3A_1491 = vector.broadcast %scan3A_1489 : i32 to vector<1x128xi32>
      %eq3A_1492 = arith.cmpi eq, %iota3A, %eq3A_1491 : vector<1x128xi32>
      %convert_element_type3A_1493 = arith.extui %eq3A_1492 : vector<1x128xi1> to vector<1x128xi32>
      %convert_element_type3A_1494 = arith.sitofp %convert_element_type3A_1493 : vector<1x128xi32> to vector<1x128xf32>
      %mul3A_1495 = arith.mulf %scan3A_1490, %convert_element_type3A_1494 : vector<1x128xf32>
      %reduce_sum3A = vector.shape_cast %mul3A_1495 : vector<1x128xf32> to vector<1x1x128xf32>
      %reduce_sum3A_1496 = arith.constant dense<0.000000e+00> : vector<1xf32>
      %reduce_sum3A_1497 = vector.multi_reduction <add>, %reduce_sum3A, %reduce_sum3A_1496 [1, 2] : vector<1x1x128xf32> to vector<1xf32>
      %reduce_sum3A_1498 = vector.shape_cast %reduce_sum3A_1497 : vector<1xf32> to vector<1x1x1xf32>
      %reduce_sum3A_1499 = vector.extract %reduce_sum3A_1498[0, 0, 0] : f32 from vector<1x1x1xf32>
      %sub3A_1500 = arith.constant 1.000000e+00 : f32
      %sub3A_1501 = arith.subf %sub3A_1500, %reduce_sum3A_1499 : f32
      %get3A_1502 = arith.index_cast %scan3A_1489 : i32 to index
      %get3A_1503 = arith.constant 0 : index
      %get3A_1504 = vector.load %arg7[%get3A_1502, %get3A_1503] : memref<128x128xf32, #tpu.memory_space<vmem>>, vector<1x128xf32>
      %mul3A_1505 = vector.broadcast %sub3A_1501 : f32 to vector<1x128xf32>
      %mul3A_1506 = arith.mulf %mul3A_1505, %get3A_1504 : vector<1x128xf32>
      %gt3A_1507 = vector.broadcast %scan3A_1489 : i32 to vector<1x128xi32>
      %gt3A_1508 = arith.cmpi sgt, %iota3A, %gt3A_1507 : vector<1x128xi32>
      %convert_element_type3A_1509 = arith.extui %gt3A_1508 : vector<1x128xi1> to vector<1x128xi32>
      %convert_element_type3A_1510 = arith.sitofp %convert_element_type3A_1509 : vector<1x128xi32> to vector<1x128xf32>
      %mul3A_1511 = arith.mulf %mul3A_1506, %convert_element_type3A_1510 : vector<1x128xf32>
      %max3A_1512 = arith.maximumf %scan3A_1490, %mul3A_1511 : vector<1x128xf32>
      scf.yield %max3A_1512 : vector<1x128xf32>
    }
    %scan3A_1460 = arith.constant 128 : i32
    %swap3A_1461 = arith.constant 0 : index
    %swap3A_1462 = arith.constant 1920 : index
    %swap3A_1463 = vector.load %arg8[%swap3A_1461, %swap3A_1462] : memref<1x2048xf32, #tpu.memory_space<vmem>>, vector<1x128xf32>
    tpu.vector_store %arg8[%swap3A_1461, %swap3A_1462], %scan3A_1459 {strides = array<i32>} : memref<1x2048xf32, #tpu.memory_space<vmem>>, vector<1x128xf32>,
    %get3A_1464 = arith.constant 0 : index
    %get3A_1465 = arith.constant 0 : index
    %get3A_1466 = vector.load %arg8[%get3A_1464, %get3A_1465] : memref<1x2048xf32, #tpu.memory_space<vmem>>, vector<1x2048xf32>
    %broadcast_in_dim3A_1467 = vector.shape_cast %get3A_1466 : vector<1x2048xf32> to vector<1x2048xf32>
    %broadcast_in_dim3A_1468 = vector.broadcast %broadcast_in_dim3A_1467 : vector<1x2048xf32> to vector<8x2048xf32>
    %swap3A_1469 = arith.constant 0 : index
    %swap3A_1470 = arith.constant 0 : index
    %swap3A_1471 = vector.load %arg5[%swap3A_1469, %swap3A_1470] : memref<8x2048xf32, #tpu.memory_space<vmem>>, vector<8x2048xf32>
    tpu.vector_store %arg5[%swap3A_1469, %swap3A_1470], %broadcast_in_dim3A_1468 {strides = array<i32>} : memref<8x2048xf32, #tpu.memory_space<vmem>>, vector<8x2048xf32>,
    %broadcast_in_dim3A_1472 = arith.constant 0.000000e+00 : f32
    %broadcast_in_dim3A_1473 = vector.broadcast %broadcast_in_dim3A_1472 : f32 to vector<2048x8xf32>
    %swap3A_1474 = arith.constant 0 : index
    %swap3A_1475 = arith.constant 0 : index
    %swap3A_1476 = vector.load %arg6[%swap3A_1474, %swap3A_1475] : memref<2048x8xf32, #tpu.memory_space<vmem>>, vector<2048x8xf32>
    tpu.vector_store %arg6[%swap3A_1474, %swap3A_1475], %broadcast_in_dim3A_1473 {strides = array<i32>} : memref<2048x8xf32, #tpu.memory_space<vmem>>, vector<2048x8xf32>,
    %swap3A_1477 = arith.constant 0 : index
    %swap3A_1478 = arith.constant 0 : index
    %swap3A_1479 = vector.load %arg6[%swap3A_1477, %swap3A_1478] : memref<2048x8xf32, #tpu.memory_space<vmem>>, vector<2048x1xf32>
    tpu.vector_store %arg6[%swap3A_1477, %swap3A_1478], %min3A_215 {strides = array<i32>} : memref<2048x8xf32, #tpu.memory_space<vmem>>, vector<2048x1xf32>,
    %swap3A_1480 = arith.constant 0 : index
    %swap3A_1481 = arith.constant 1 : index
    %swap3A_1482 = vector.load %arg6[%swap3A_1480, %swap3A_1481] : memref<2048x8xf32, #tpu.memory_space<vmem>>, vector<2048x1xf32>
    tpu.vector_store %arg6[%swap3A_1480, %swap3A_1481], %min3A_220 {strides = array<i32>} : memref<2048x8xf32, #tpu.memory_space<vmem>>, vector<2048x1xf32>,
    %swap3A_1483 = arith.constant 0 : index
    %swap3A_1484 = arith.constant 2 : index
    %swap3A_1485 = vector.load %arg6[%swap3A_1483, %swap3A_1484] : memref<2048x8xf32, #tpu.memory_space<vmem>>, vector<2048x1xf32>
    tpu.vector_store %arg6[%swap3A_1483, %swap3A_1484], %min3A_225 {strides = array<i32>} : memref<2048x8xf32, #tpu.memory_space<vmem>>, vector<2048x1xf32>,
    %swap3A_1486 = arith.constant 0 : index
    %swap3A_1487 = arith.constant 3 : index
    %swap3A_1488 = vector.load %arg6[%swap3A_1486, %swap3A_1487] : memref<2048x8xf32, #tpu.memory_space<vmem>>, vector<2048x1xf32>
    tpu.vector_store %arg6[%swap3A_1486, %swap3A_1487], %min3A_230 {strides = array<i32>} : memref<2048x8xf32, #tpu.memory_space<vmem>>, vector<2048x1xf32>,
    return
  }
}

</mosaic_0001>

<sc_bundles>
// kernel: gather_offload_async_start
scs
__scs_entry_jumppad:
0x0: {  	(pc) =	sbr.rel $0x88, $3  }
0x1: {  	(tag) =	ssettag $0x0;
	lr =	simm.s32 $0x1  }
0x2: {  	[smem:$0x3F98] =	sst lr;
	_ =	strace $0xD0000000  }
0x3: {  	_ = 	snop  }
0x4: {  	_ = 	snop  }
0x5: {  	_ = 	snop  }
0x6: {  	_ = 	snop  }
0x7: {  	_ = 	snop  }
__scs_overlays_trampoline_lowered:
0x8: {  	[smem:$0x3FA7] =	sst s0  }
0x9: {  	[smem:$0x3FA8] =	sst s1  }
0xa: {  	[smem:$0x3FA9] =	sst s2  }
0xb: {  	[smem:$0x3FAA] =	sst s3  }
0xc: {  	[smem:$0x3FAB] =	sst s4  }
0xd: {  	[smem:$0x3FAC] =	sst s5  }
0xe: {  	[smem:$0x3FAD] =	sst s6  }
0xf: {  	[smem:$0x3FAE] =	sst s7  }
0x10: {  	[smem:$0x3FAF] =	sst s8  }
0x11: {  	[smem:$0x3FB0] =	sst s9;
	s0 =	simm.s32 @!p0 $0x0  }
0x12: {  	s1 =	sld [smem:$0x3F96];
	s0 =	simm.s32 @p0 $0x1  }
0x13: {  	[smem:$0x3FB1] =	sst s0;
	s0 =	simm.s32 @!p1 $0x0  }
0x14: {  	s2 =	sld [smem:$0x3F95];
	s0 =	simm.s32 @p1 $0x1  }
0x15: {  	[smem:$0x3FB2] =	sst s0;
	s0 =	simm.s32 @!p2 $0x0  }
0x16: {  	s3 =	sld [smem:$0x3FDB];
	s0 =	simm.s32 @p2 $0x1  }
0x17: {  	s4 =	simm.s32 $0x1BF5;
	[smem:$0x3FB4] =	sst s0  }
0x18: {  	s0 =	sld [smem:$0x3F97];
	_ =	swait.ge [sflag:s4], $0x0  }
0x19: {  	s7 =	sld [smem:$0x3F98]  }
0x1a: {  	s8 =	sadd.s32 $0xFFFFE003, lr  }
0x1b: {  	s9 =	sadd.s32 $0xFFFFFEF7, lr;
	s5 =	simm.s32 $0xFFFFFFFF;
	p2 =	slt.u32 s8, $0xFFFFF086  }
0x1c: {  	p1 =	slt.u32 s9, $0xF7A;
	s5 =	simm.s32 @!p2 $0x0  }
0x1d: {  	s5 =	simm.s32 @p1 $0x1;
	p0 =	seq.s32 s7, s2  }
0x1e: {  	s7 =	smul.u32 @!p0 $0xF7A, s2;
	p2 =	seq.s32 @!p0 s5, $0x0  }
0x1f: {  	s9 =	smul.u32 $0xF7A, s1;
	s8 =	simm.s32 @!p0 $0x1BF5;
	p2 =	por !p2, p0  }
0x20: {  	[sflag:s8] =	ssyncset.s32 @!p0 $0xFFFFF086;
	s6 =	sadd.s32 @!p0 s3, s7;
	s7 =	simm.s32 @!p0 $0x108  }
0x21: {  	s3 =	sadd.s32 s3, s9;
	s6 =	sadd.s32 @!p0 $0x88, s6;
	s7 =	simm.s32 @p2 $0x1082  }
0x22: {  	[simem:s7], [sflag:s8] =	dma.local @!p0 [hbm:s6], $0xF7A  }
0x23: {  	s9 =	sor.u32 $0xD0000000, s2;
	s6 =	simm.s32 $0x108;
	_ =	swait.ge @!p0 [sflag:s8], $0x0  }
0x24: {  	s3 =	sadd.s32 $0x88, s3;
	s6 =	simm.s32 @!p1 $0x1082;
	[sflag:s4] =	ssyncset.s32 $0xFFFFF086  }
0x25: {  	[simem:s6], [sflag:s4] =	dma.local [hbm:s3], $0xF7A  }
0x26: {  	[smem:$0x3F98] =	sst s1;
	(tag) =	ssettag s2;
	_ =	strace s9  }
0x27: {  	s1 =	sld [smem:$0x3FA8]  }
0x28: {  	s2 =	sld [smem:$0x3FA9]  }
0x29: {  	s4 =	sld [smem:$0x3FAB]  }
0x2a: {  	p0 =	seq.s32 s5, $0x0;
	s5 =	sld [smem:$0x3FAC]  }
0x2b: {  	s6 =	sld [smem:$0x3FAD]  }
0x2c: {  	s7 =	sld [smem:$0x3FAE]  }
0x2d: {  	s3 =	simm.s32 $0x108;
	s8 =	sld [smem:$0x3FAF]  }
0x2e: {  	s3 =	simm.s32 @!p0 $0x1082;
	s9 =	sld [smem:$0x3FB0]  }
0x2f: {  	lr =	sadd.s32 s0, s3;
	s0 =	sld [smem:$0x3FA7]  }
0x30: {  	s3 =	sld [smem:$0x3FAA]  }
0x31: {  	[smem:$0x3FB3] =	sst s10  }
0x32: {  	s10 =	sld [smem:$0x3FB1];
	_ =	sdelay $0x3  }
0x33: {  	p0 =	seq.s32 s10, $0x1;
	s10 =	sld [smem:$0x3FB3];
	_ =	sdelay $0x3  }
0x34: {  	[smem:$0x3FB3] =	sst s10  }
0x35: {  	s10 =	sld [smem:$0x3FB2];
	_ =	sdelay $0x3  }
0x36: {  	p1 =	seq.s32 s10, $0x1;
	s10 =	sld [smem:$0x3FB3];
	_ =	sdelay $0x3  }
0x37: {  	[smem:$0x3FB3] =	sst s10  }
0x38: {  	s10 =	sld [smem:$0x3FB4]  }
0x39: {  	_ = 	snop;
	(pc) =	sbr.ind lr, $3  }
0x3a: {  	_ = 	snop  }
0x3b: {  	_ = 	snop  }
0x3c: {  	p2 =	seq.s32 s10, $0x1;
	s10 =	sld [smem:$0x3FB3]  }
0x3d: {  	_ =	shalt  }
0x3e: {  	_ =	shalt  }
0x3f: {  	_ =	shalt  }
0x40: {  	_ =	shalt  }
0x41: {  	_ =	shalt  }
0x42: {  	_ =	shalt  }
0x43: {  	_ =	shalt  }
0x44: {  	_ =	shalt  }
0x45: {  	_ =	shalt  }
0x46: {  	_ =	shalt  }
0x47: {  	_ =	shalt  }
0x48: {  	_ =	shalt  }
0x49: {  	_ =	shalt  }
0x4a: {  	_ =	shalt  }
0x4b: {  	_ =	shalt  }
0x4c: {  	_ =	shalt  }
0x4d: {  	_ =	shalt  }
0x4e: {  	_ =	shalt  }
0x4f: {  	_ =	shalt  }
0x50: {  	_ =	shalt  }
0x51: {  	_ =	shalt  }
0x52: {  	_ =	shalt  }
0x53: {  	_ =	shalt  }
0x54: {  	_ =	shalt  }
0x55: {  	_ =	shalt  }
0x56: {  	_ =	shalt  }
0x57: {  	_ =	shalt  }
0x58: {  	_ =	shalt  }
0x59: {  	_ =	shalt  }
0x5a: {  	_ =	shalt  }
0x5b: {  	_ =	shalt  }
0x5c: {  	_ =	shalt  }
0x5d: {  	_ =	shalt  }
0x5e: {  	_ =	shalt  }
0x5f: {  	_ =	shalt  }
0x60: {  	_ =	shalt  }
0x61: {  	_ =	shalt  }
0x62: {  	_ =	shalt  }
0x63: {  	_ =	shalt  }
0x64: {  	_ =	shalt  }
0x65: {  	_ =	shalt  }
0x66: {  	_ =	shalt  }
0x67: {  	_ =	shalt  }
0x68: {  	_ =	shalt  }
0x69: {  	_ =	shalt  }
0x6a: {  	_ =	shalt  }
0x6b: {  	_ =	shalt  }
0x6c: {  	_ =	shalt  }
0x6d: {  	_ =	shalt  }
0x6e: {  	_ =	shalt  }
0x6f: {  	_ =	shalt  }
0x70: {  	_ =	shalt  }
0x71: {  	_ =	shalt  }
0x72: {  	_ =	shalt  }
0x73: {  	_ =	shalt  }
0x74: {  	_ =	shalt  }
0x75: {  	_ =	shalt  }
0x76: {  	_ =	shalt  }
0x77: {  	_ =	shalt  }
0x78: {  	_ =	shalt  }
0x79: {  	_ =	shalt  }
0x7a: {  	_ =	shalt  }
0x7b: {  	_ =	shalt  }
0x7c: {  	_ =	shalt  }
0x7d: {  	_ =	shalt  }
0x7e: {  	_ =	shalt  }
0x7f: {  	_ =	shalt  }
0x80: {  	_ =	shalt  }
0x81: {  	_ =	shalt  }
0x82: {  	_ =	shalt  }
0x83: {  	_ =	shalt  }
0x84: {  	_ =	shalt  }
0x85: {  	_ =	shalt  }
0x86: {  	_ =	shalt  }
0x87: {  	_ =	shalt  }
.Lfunc_end0:
.L_simem_size_0:
called_computation_lowered:
.L_overlay_start_0:
0x88: {  	s0 =	sld [smem:$0x3FD9]  }
0x89: {  	s1 =	sld [smem:$0x3FFE];
	_ =	sdelay $0x3  }
0x8a: {  	s0 =	sadd.s32 s1, s0  }
0x8b: {  	[smem:$0x3FBF] =	sst s0  }
0x8c: {  	_ = 	snop  }
0x8d: {  	s0 =	sld [smem:$0x3FD0];
	_ =	sdelay $0x2  }
0x8e: {  	s13 =	simm.s32 $0xA;
	s2 =	simm.s32 $0x10  }
0x8f: {  	[smem:s2], [sflag:s13] =	dma.local [hbm:s0], $0x1  }
0x90: {  	_ =	swait.eq [sflag:s13], $0x1  }
0x91: {  	[sflag:s13] =	ssyncset.done $0x0  }
0x92: {  	[sflag:s13] =	ssyncadd.s32 $0xFFFFFFFF  }
0x93: {  	s14 =	sld [smem:$0x10];
	(tm) =	ssettm $0x1  }
0x94: {  	s15 =	sld [smem:$0x3FFB];
	_ =	sdelay $0x3  }
0x95: {  	_ =	strace s15  }
0x96: {  	s1 =	sld [smem:$0x3FFC];
	_ =	sdelay $0x3  }
0x97: {  	_ =	strace s1  }
0x98: {  	s1 =	sld [smem:$0x3FFD];
	_ =	sdelay $0x3  }
0x99: {  	_ =	strace s1  }
0x9a: {  	_ =	strace $0x8FFFFFFF  }
0x9b: {  	s16 =	sld [smem:$0x3FDB];
	_ =	sdelay $0x1  }
0x9c: {  	s17 =	simm.s32 $_scs_section_size  }
0x9d: {  	s3 =	simm.s32 $_size__tile_overlayer_lowered;
	s4 =	simm.s32 $_tile_overlayer_lowered  }
0x9e: {  	s20 =	simm.s32 $0x1BFF;
	s19 =	sshll.u32 s4, $0x1;
	s1 =	sadd.s32 s17, s16  }
0x9f: {  	s5 =	simm.s32 $0x0;
	s18 =	sshll.u32 s3, $0x1;
	s3 =	sadd.s32 s19, s1  }
0xa0: {  	[timem:s5], [sflag:s20] =	dma.local [hbm:s3], s18  }
0xa1: {  	_ =	swait.ge [sflag:s20], s18  }
0xa2: {  	s2 =	ssub.s32 $0x0, s18;
	[sflag:s20] =	ssyncset.done $0x0  }
0xa3: {  	[sflag:s20] =	ssyncadd.s32 s2;
	_ =	sdelay $0x1  }
0xa4: {  	s21 =	simm.s32 $0x1B8B  }
0xa5: {  	_ =	swait.ge [sflag:s21], $0x1  }
0xa6: {  	[sflag:s21] =	ssyncset.done $0x0  }
0xa7: {  	s23 =	simm.s32 $0x1B8E;
	s22 =	sld [smem:$0x3FFE];
	[sflag:s21] =	ssyncadd.s32 $0xFFFFFFFF  }
0xa8: {  	s24 =	simm.s32 $execute0_lowered;
	[smem:$0x3FD2] =	sst s23  }
0xa9: {  	s3 =	sshll.u32 s24, $0x1;
	_ =	strace $0x80000046;
	[dreg:$0x1] =	wrdreg $0xFFFFFFFF  }
0xaa: {  	s25 =	simm.s32 $_size_execute0_lowered;
	s1 =	sadd.s32 s1, s3;
	[dreg:$0x0] =	wrdreg $0x0  }
0xab: {  	s3 =	sshll.u32 s25, $0x1;
	[dreg:$0x2] =	wrdreg s1  }
0xac: {  	[dreg:$0x3] =	wrdreg s3  }
0xad: {  	[dreg:$0x4] =	wrdreg $0xC0  }
0xae: {  	_ =	task [dreg:s5], $0x5FFFF  }
0xaf: {  	[dreg:$0x1] =	wrdreg $0xFFFFFFFF  }
0xb0: {  	[dreg:$0x0] =	wrdreg $0x60  }
0xb1: {  	[dreg:$0x2] =	wrdreg s22  }
0xb2: {  	[dreg:$0x3] =	wrdreg s14  }
0xb3: {  	[dreg:$0x4] =	wrdreg $0x9  }
0xb4: {  	_ =	task.clear_ibuf [dreg:s5], $0x5FFFF;
	_ =	strace $0x90000046  }
0xb5: {  	s26 =	simm.s32 $0x9;
	_ =	strace $0x80000048  }
0xb6: {  	_ =	swait.ge [sflag:s26], $0x1  }
0xb7: {  	[sflag:s26] =	ssyncadd.s32 $0xFFFFFFFF  }
0xb8: {  	_ =	strace $0x90000048  }
0xb9: {  	_ =	sfence  }
0xba: {  	s28 =	sld [smem:$0x0];
	_ =	sdelay $0x1  }
0xbb: {  	s29 =	srdreg.scid  }
0xbc: {  	s30 =	sshll.u32 s29, $0xD;
	s31 =	sshrl.u32 s29, $0x2  }
0xbd: {  	s2 =	sand.u32 $0x4000, s30;
	s1 =	sand.u32 $0x1, s29;
	s0 =	sadd.s32 s31, s28  }
0xbe: {  	s1 =	sor.u32 s2, s1;
	s0 =	sshll.u32 s0, $0x11  }
0xbf: {  	s0 =	sor.u32 s0, s1  }
0xc0: {  	s0 =	sadd.s32 $0x8F2B, s0  }
0xc1: {  	[sflag:s0] =	ssyncadd.remote.s32 $0x1  }
0xc2: {  	_ =	sfence.sel $0xFFFF  }
0xc3: {  	[dreg:$0x0] =	wrdreg $0xFFFFFFFF;
	(pc) =	sbr.abs _section_cstart, $3  }
0xc4: {  	[dreg:$0x1] =	wrdreg $0xFFFFFFFF  }
0xc5: {  	_ =	task.clear_ibuf [dreg:s5], $0x2FFFF;
	_ =	strace $0x9FFFFFFF  }
0xc6: {  	(tm) =	ssettm $0x7FFFFFFF  }
0xc7: {  	_ =	shalt  }
tec
execute0_lowered:
.L_overlay_start_1:
0x0: {  	(tag) =	ssettag $0x1  }
0x1: {  	s0 =	stileid.u32  }
0x2: {  	s1 =	smin.u32 s0, $0x9  }
0x3: {  	s1 =	sadd.s32 s0, s1  }
0x4: {  	s2 =	simm.s32 $0xA0;
	p0 =	slt.u32 s0, $0x9;
	s1 =	smul.u32 $0x50, s1  }
0x5: {  	s2 =	simm.s32 @!p0 $0x50  }
0x6: {  	s2 =	sadd.s32 s2, s1  }
0x7: {  	s3 =	smin.u32 s2, $0x7D0  }
0x8: {  	s7 =	ssub.s32 s3, s1  }
0x9: {  	p0 =	sgt.s32 s7, $0x0  }
0xa: {  	s7 =	simm.s32 @!p0 $0x0  }
0xb: {  	s4 =	rddreg [dreg:$0x0];
	s31 =	smul.u32 $0xCCCD, s7  }
0xc: {  	s5 =	rddreg [dreg:$0x1]  }
0xd: {  	s6 =	simm.s32 $0x1;
	s10 =	simm.s32 $0x3;
	s8 =	sshrl.u32 s31, $0x16  }
0xe: {  	s13 =	simm.s32 $0x0;
	s12 =	simm.s32 $0x0;
	s9 =	smul.u32 $0x50, s8  }
.Ltmp0:
0xf: {  	s11 =	smov.u32 s1;
	s2 =	rddreg [dreg:$0x2];
	(pc) =	sbr.rel .LBB2_1-.Ltmp0, $4  }
0x10: {  	_ =	strace $0x80000047;
	p0 =	sne.s32 s7, s9;
	s9 =	simm.s32 $0x1  }
0x11: {  	[sflag:s6] =	ssyncpa.u1 $0x0;
	s7 =	simm.s32 $0x2;
	s9 =	simm.s32 @!p0 $0x0  }
0x12: {  	[sflag:s7] =	ssyncpa.u1 $0x0;
	p0 =	por $0x0, $0x0;
	s8 =	sadd.s32 s8, s9  }
0x13: {  	vm0 =	vmmov $0xff;
	vm1 =	vcmask $0x3F20;
	s9 =	sadd.s32 $0x1F4200, s4;
	[sflag:s10] =	ssyncpa.u1 $0x0;
	s10 =	sadd.s32 $0x1, s8  }
.LBB2_6:
0x14: {  	[hbm:s17] =	stream.linear.scatter [tilespmem:s14], [sflag:$0x3], $0x400, $0x38;
	[tilespmem:$0x50A0] =	vst v63  }
.LBB2_7:
0x15: {  	s13 =	sadd.s32 $0x50, s11  }
0x16: {  	s15 =	smov.u32 s1;
	p2 =	slt.s32 s13, s3  }
0x17: {  	s15 =	smov.u32 @p2 s13;
	p2 =	sne.s32 s12, s10  }
.Ltmp1:
0x18: {  	p1 =	slt.u32 s12, $0x2;
	(pc) =	sbr.rel @!p2 .LBB2_8-.Ltmp1, $4  }
0x19: {  	s14 =	simm.s32 @!p1 $0x3  }
0x1a: {  	s16 =	sadd.s32 $0x1, s12;
	_ =	swait.ge @!p1 [sflag:s14], $0x2800  }
0x1b: {  	p0 =	por !p0, !p0;
	s13 =	smov.u32 s11;
	[sflag:s14] =	ssyncset.done @!p1 $0x0  }
0x1c: {  	s12 =	smov.u32 s16;
	s11 =	smov.u32 s15;
	[sflag:s14] =	ssyncadd.s32 @!p1 $0xFFFFD800  }
.LBB2_1:
0x1d: {  	p1 =	sge.u32 s12, s8  }
0x1e: {  	s14 =	sxor.u32 @!p1 $0xFFFFFFFF, s12  }
0x1f: {  	s14 =	sand.u32 @!p1 $0x1, s14  }
0x20: {  	s14 =	smul.u32 @!p1 $0x140, s14  }
0x21: {  	s31 =	sadd.s32 $0xFFFFFFFF, s12;
	s15 =	sshrl.u32 @!p1 s11, $0x3  }
0x22: {  	s16 =	sand.u32 @!p1 $0x7, s11;
	s15 =	sadd.s32 @!p1 s5, s15;
	s14 =	sshrl.u32 @!p1 s14, $0x2  }
0x23: {  	[tilespmem:s14], [sflag:$0x2] =	stream.linear.gather @!p1 [hbm4b:s15+s16], $0x50, $0x38;
	[tilespmem:$0x50A0] =	vst v63  }
0x24: {  	p1 =	sge.u32 s31, s8  }
.Ltmp2:
0x25: {  	_ = 	snop;
	(pc) =	sbr.rel @p1 .LBB2_7-.Ltmp2, $1  }
0x26: {  	_ =	sdelay $0x3  }
0x27: {  	s14 =	simm.s32 $0x1  }
0x28: {  	s14 =	simm.s32 @!p0 $0x0  }
0x29: {  	s15 =	smul.u32 $0x140, s14  }
0x2a: {  	_ =	swait.ge [sflag:s7], $0x50  }
0x2b: {  	[sflag:s7] =	ssyncset.done $0x0;
	s16 =	sshrl.u32 s15, $0x2  }
0x2c: {  	[sflag:s7] =	ssyncadd.s32 $0xFFFFFFB0;
	s15 =	sadd.s32 $0x0, s16  }
0x2d: {  	v0 =	vld.msk [tilespmem:s15+$0x0 ss:$0x1], $0xffff;
	_ =	sdelay $0x4  }
0x2e: {  	vm2 =	vgt.s32 v0, $0x0  }
0x2f: {  	v0 =	vnsel vm2, $0x0, v0  }
0x30: {  	v0 =	vmin.u32 v0, $0x1F3FF  }
0x31: {  	v0 =	vshll.u32 v0, $0x4  }
0x32: {  	s14 =	smul.u32 $0xA000, s14;
	_ =	sdelay $0x1  }
0x33: {  	s14 =	sshrl.u32 s14, $0x2  }
0x34: {  	s14 =	sor.u32 $0xA0, s14  }
0x35: {  	[tilespmem:s14], [sflag:$0x1] =	stream.indirect_vreg.gather [hbm:s4], $0x80, v0, vm0, $0x38;
	[tilespmem:$0x50A0] =	vst v63  }
0x36: {  	s17 =	sadd.s32 $0x10, s16;
	s15 =	sadd.s32 $0x400, s14  }
0x37: {  	[tilespmem:s15], [sflag:$0x1] =	stream.indirect_vreg.gather [hbm:s4], $0x80, v0, vm1, $0x38;
	[tilespmem:$0x50A0] =	vst v63  }
0x38: {  	s18 =	simm.s32 $0x80;
	v0 =	vld.msk [tilespmem:s17+$0x0 ss:$0x1], $0xffff;
	s17 =	smov.u32 s14  }
.LBB2_3:
0x39: {  	p1 =	sne.s32 s18, $0x100;
	_ =	sdelay $0x4  }
0x3a: {  	vm2 =	vgt.s32 v0, $0x0  }
0x3b: {  	v0 =	vnsel vm2, $0x0, v0  }
0x3c: {  	v0 =	vmin.u32 v0, $0x1F3FF  }
0x3d: {  	v0 =	vshll.u32 v0, $0x4;
	_ =	sdelay $0x3  }
.Ltmp3:
0x3e: {  	s19 =	sshra.s32 s18, $0x2;
	s17 =	sadd.s32 $0x800, s17;
	(pc) =	sbr.rel @p1 .LBB2_3-.Ltmp3, $4  }
0x3f: {  	[tilespmem:s17], [sflag:$0x1] =	stream.indirect_vreg.gather [hbm:s4], $0x80, v0, vm0, $0x38;
	[tilespmem:$0x50A0] =	vst v63  }
0x40: {  	s19 =	sadd.s32 s19, s16;
	s20 =	sadd.s32 $0x400, s17  }
0x41: {  	[tilespmem:s20], [sflag:$0x1] =	stream.indirect_vreg.gather [hbm:s4], $0x80, v0, vm1, $0x38;
	[tilespmem:$0x50A0] =	vst v63  }
0x42: {  	s18 =	sadd.s32 $0x40, s18;
	v0 =	vld.msk [tilespmem:s19+$0x0 ss:$0x1], $0xffff  }
0x43: {  	_ =	sdelay $0x3  }
0x44: {  	vm2 =	vgt.s32 v0, $0x0  }
0x45: {  	v0 =	vnsel vm2, $0x0, v0  }
0x46: {  	v0 =	vmin.u32 v0, $0x1F3FF  }
0x47: {  	v0 =	vshll.u32 v0, $0x4;
	_ =	sdelay $0x3  }
0x48: {  	s16 =	sadd.s32 $0x800, s17  }
0x49: {  	[tilespmem:s16], [sflag:$0x1] =	stream.indirect_vreg.gather [hbm:s4], $0x80, v0, vm0, $0x38;
	[tilespmem:$0x50A0] =	vst v63  }
0x4a: {  	s16 =	sadd.s32 $0x400, s16  }
0x4b: {  	[tilespmem:s16], [sflag:$0x1] =	stream.indirect_vreg.gather [hbm:s4], $0x80, v0, vm1, $0x38;
	[tilespmem:$0x50A0] =	vst v63  }
0x4c: {  	s13 =	sshll.u32 s13, $0x4;
	_ =	swait.ge [sflag:s6], $0x2800  }
0x4d: {  	s13 =	sadd.s32 s13, s9;
	[sflag:s6] =	ssyncset.done $0x0  }
0x4e: {  	s17 =	sadd.s32 $0x0, s13;
	s16 =	simm.s32 $0x80;
	[sflag:s6] =	ssyncadd.s32 $0xFFFFD800  }
.LBB2_5:
0x4f: {  	[hbm:s17] =	stream.linear.scatter [tilespmem:s14], [sflag:$0x3], $0x400, $0x38;
	[tilespmem:$0x50A0] =	vst v63  }
0x50: {  	s17 =	smov.u32 s16;
	s14 =	smov.u32 s15;
	p1 =	sne.s32 s16, $0x480  }
.Ltmp4:
0x51: {  	s16 =	sadd.s32 $0x80, s16;
	(pc) =	sbr.rel @p1 .LBB2_5-.Ltmp4, $2  }
0x52: {  	_ =	sdelay $0x2  }
0x53: {  	s15 =	sadd.s32 $0x400, s15;
	s17 =	sadd.s32 s17, s13  }
.Ltmp5:
0x54: {  	_ = 	snop;
	(pc) =	sbr.rel .LBB2_6-.Ltmp5, $1  }
0x55: {  	_ =	sdelay $0x3  }
.LBB2_8:
0x56: {  	_ =	sfence.sel $0x180000  }
0x57: {  	s1 =	simm.s32 $0x2;
	[bflag:$0x0] =	sbarrier.arrive $0xFFFF  }
0x58: {  	s30 =	simm.s32 $0x3;
	[sflag:s1] =	ssyncpa.u1 $0x1  }
0x59: {  	s31 =	simm.s32 $0x1;
	[sflag:s30] =	ssyncpa.u1 $0x1  }
0x5a: {  	[sflag:s31] =	ssyncpa.u1 $0x1  }
0x5b: {  	p0 =	sne.s32 s0, $0x0;
	_ =	strace $0x90000047  }
0x5c: {  	s0 =	sadd.s32 @!p0 $0x100000, s2;
	[bflag:$0x2] =	sbarrier.arrive $0xFFFF  }
0x5d: {  	[sflag:s0] =	ssyncadd.tile.s32 @!p0 $0x1;
	_ =	shalt  }
.Lfunc_end2:
_tile_overlayer_lowered:
.L_overlay_start_2:
0x5e: {  	(tag) =	ssettag $0x2  }
0x5f: {  	s0 =	rddreg [dreg:$0x0];
	s2 =	stileid.u32  }
0x60: {  	s1 =	rddreg [dreg:$0x1];
	p0 =	sne.s32 s2, $0x0  }
0x61: {  	s3 =	rddreg [dreg:$0x2];
	[bflag:$0x3] =	sbarrier.arrive $0xFFFF;
	s2 =	simm.s32 @!p0 $0x1C01  }
0x62: {  	[timem:s3], [sflag:s2] =	dma.local @!p0 [hbm:s0], s1  }
0x63: {  	s0 =	simm.s32 @!p0 $0x1  }
0x64: {  	_ =	swait.ge @!p0 [sflag:s0], s1  }
0x65: {  	s1 =	ssub.s32 @!p0 $0x0, s1;
	[sflag:s0] =	ssyncset.done @!p0 $0x0  }
0x66: {  	[sflag:s0] =	ssyncadd.s32 @!p0 s1  }
0x67: {  	[bflag:$0x3] =	sbarrier.arrive $0xFFFF  }
0x68: {  	_ =	shalt  }

</sc_bundles>
